<compile_context>
chip_gen: v7x
topology: tpu7x:2x2x1
jax: 0.10.2.dev20260603
libtpu: 0.0.44.dev20260713+nightly
codegen_flags: <defaults>
</compile_context>

<pallas_src>
import dataclasses
import functools

import jax
import jax.numpy as jnp
from jax import lax
from jax.experimental import pallas as pl
from jax.experimental.pallas import tpu as pltpu
from jax.experimental.pallas import tpu_sc as plsc

B = 16384
F = 26
V = 100000
D = 16
BF = B * F
ROWS = BF // 128
NW = 32
ROWS_PER_W = ROWS // NW
CHUNK_R = 8
STEPS = ROWS_PER_W // CHUNK_R

_i32 = jnp.int32
_f32 = jnp.float32


def _sc_gather(xi_flat, t2_flat, t1_flat):
    mesh = plsc.VectorSubcoreMesh(core_axis_name="c", subcore_axis_name="s")
    cp = pltpu.CompilerParams()
    if "needs_layout_passes" in pltpu.CompilerParams.__dataclass_fields__:
        cp = dataclasses.replace(cp, needs_layout_passes=False)
    if "use_tc_tiling_on_sc" in pltpu.CompilerParams.__dataclass_fields__:
        cp = dataclasses.replace(cp, use_tc_tiling_on_sc=False)

    @functools.partial(
        pl.kernel,
        compiler_params=cp,
        out_type=(
            jax.ShapeDtypeStruct((ROWS, 128, D), _f32),
            jax.ShapeDtypeStruct((ROWS, 128), _f32),
        ),
        mesh=mesh,
        scratch_types=[
            pltpu.VMEM((CHUNK_R, 128), _i32),
            pltpu.VMEM((CHUNK_R, 128), _i32),
            pltpu.VMEM((CHUNK_R, 128), _i32),
            pltpu.VMEM((CHUNK_R, 128), _i32),
            pltpu.VMEM((CHUNK_R, 128, D), _f32),
            pltpu.VMEM((CHUNK_R, 128, D), _f32),
            pltpu.VMEM((CHUNK_R, 128), _f32),
            pltpu.SemaphoreType.DMA,
        ],
    )
    def sc_kernel(xi_hbm, t2_hbm, t1_hbm, g2_hbm, g1_hbm,
                  idx_v, sidx_v, fidx_v, lane_v, rows_v, frows_v, g1_v, sem):
        wid = lax.axis_index("c") * 16 + lax.axis_index("s")
        iota = lax.broadcasted_iota(_i32, (16,), 0)

        @pl.loop(0, STEPS)
        def _step(c):
            base_row = wid * ROWS_PER_W + c * CHUNK_R
            pltpu.sync_copy(xi_hbm.at[pl.ds(base_row, CHUNK_R)], idx_v)

            @pl.loop(0, CHUNK_R)
            def _prep(j):
                for l in range(8):
                    sl = (j, pl.ds(l * 16, 16))
                    pos = (base_row + j) * 128 + l * 16 + iota
                    s = (pos % F) * V + idx_v[sl]
                    sidx_v[sl] = s
                    fidx_v[sl] = lax.shift_right_logical(s, 4)
                    lane_v[sl] = lax.bitwise_and(s, 15)

            @pl.loop(0, CHUNK_R)
            def _gather(j):
                d2 = pltpu.async_copy(t2_hbm.at[sidx_v.at[j]], rows_v.at[j], sem)
                d1 = pltpu.async_copy(t1_hbm.at[fidx_v.at[j]], frows_v.at[j], sem)
                d2.wait()
                d1.wait()

            @pl.loop(0, CHUNK_R)
            def _select(j):
                jv = jnp.full((16,), j, dtype=_i32)
                for l in range(8):
                    sl = (j, pl.ds(l * 16, 16))
                    g1_v[sl] = plsc.load_gather(
                        frows_v, [jv, l * 16 + iota, lane_v[sl]])

            pltpu.sync_copy(rows_v, g2_hbm.at[pl.ds(base_row, CHUNK_R)])
            pltpu.sync_copy(g1_v, g1_hbm.at[pl.ds(base_row, CHUNK_R)])

    return sc_kernel(xi_flat, t2_flat, t1_flat)


BB = 1024


def _tc_body(xv_ref, g1_ref, g2_ref, w1_ref, b1_ref, w2_ref, b2_ref,
             bias_ref, out_ref):
    xv = xv_ref[...]
    g1 = g1_ref[...]
    g2 = g2_ref[...]
    hi = jax.lax.Precision.HIGHEST

    ef = lax.broadcasted_iota(_i32, (F, F * D), 0)
    ej = lax.broadcasted_iota(_i32, (F, F * D), 1)
    E = (lax.shift_right_logical(ej, 4) == ef).astype(_f32)
    xe = jnp.dot(xv, E, precision=hi, preferred_element_type=_f32)
    fm2 = g2 * xe

    sj = lax.broadcasted_iota(_i32, (F * D, D), 0)
    sd = lax.broadcasted_iota(_i32, (F * D, D), 1)
    S = (lax.bitwise_and(sj, 15) == sd).astype(_f32)
    fm_sum = jnp.dot(fm2, S, precision=hi, preferred_element_type=_f32)
    fm_sq = jnp.dot(fm2 * fm2, S, precision=hi, preferred_element_type=_f32)
    second = 0.5 * jnp.sum(fm_sum * fm_sum - fm_sq, axis=1)

    z1 = jnp.maximum(
        jnp.dot(fm2, w1_ref[...], precision=hi, preferred_element_type=_f32)
        + b1_ref[...], 0.0)
    z2 = jnp.maximum(
        jnp.dot(z1, w2_ref[...], precision=hi, preferred_element_type=_f32)
        + b2_ref[...], 0.0)
    deep = jnp.sum(z2, axis=1)

    first = jnp.sum(g1 * xv, axis=1)
    out_ref[0, 0, :] = first + second + deep + bias_ref[0, 0]


def kernel(Xi, Xv, first_tables, second_tables, W1, b1, W2, b2, bias):
    xi_flat = Xi.reshape(BF).astype(_i32).reshape(ROWS, 128)
    t2_flat = second_tables.reshape(F * V, D)
    t1_flat = first_tables.reshape(F * V // D, D)

    g2, g1 = _sc_gather(xi_flat, t2_flat, t1_flat)
    g2r = g2.reshape(B, F * D)
    g1r = g1.reshape(B, F)

    grid = (B // BB,)
    out = pl.pallas_call(
        _tc_body,
        grid=grid,
        in_specs=[
            pl.BlockSpec((BB, F), lambda i: (i, 0)),
            pl.BlockSpec((BB, F), lambda i: (i, 0)),
            pl.BlockSpec((BB, F * D), lambda i: (i, 0)),
            pl.BlockSpec((F * D, 32), lambda i: (0, 0)),
            pl.BlockSpec((1, 32), lambda i: (0, 0)),
            pl.BlockSpec((32, 32), lambda i: (0, 0)),
            pl.BlockSpec((1, 32), lambda i: (0, 0)),
            pl.BlockSpec((1, 1), lambda i: (0, 0)),
        ],
        out_specs=pl.BlockSpec((1, 1, BB), lambda i: (i, 0, 0)),
        out_shape=jax.ShapeDtypeStruct((B // BB, 1, BB), _f32),
        compiler_params=pltpu.CompilerParams(
            dimension_semantics=("arbitrary",)),
    )(Xv, g1r, g2r, W1, b1.reshape(1, 32), W2, b2.reshape(1, 32),
      bias.reshape(1, 1))
    return out.reshape(B)

# --- scband reference (transcript-rebuilt; emitter-appended) ---
"""Pipeline reference for scband-deep-fm-33500744908838 (READ-ONLY COPY).

The authoritative reference and input builder live on the scoring server;
editing this copy changes nothing except your own understanding.
"""

import jax, jax.numpy as jnp
import numpy as np

FIELD_SIZE = 26
VOCAB = 100000
EMBED_DIM = 16
BATCH = 16384
DEEP = [32, 32]


def setup_inputs(seed: int = 0) -> dict:
    key = jax.random.key(seed)
    ks = jax.random.split(key, 8)
    Xi = jax.random.randint(ks[0], (BATCH, FIELD_SIZE, 1), 0, VOCAB, dtype=jnp.int64 if jax.config.jax_enable_x64 else jnp.int32)
    Xv = jax.random.uniform(ks[1], (BATCH, FIELD_SIZE), dtype=jnp.float32)
    # learned params: per-field first-order ([F,V,1]) and second-order ([F,V,D]) embedding tables
    first_tables = jax.random.normal(ks[2], (FIELD_SIZE, VOCAB, 1), dtype=jnp.float32) * 0.01
    second_tables = jax.random.normal(ks[3], (FIELD_SIZE, VOCAB, EMBED_DIM), dtype=jnp.float32) * 0.01
    W1 = jax.random.normal(ks[4], (FIELD_SIZE * EMBED_DIM, DEEP[0]), dtype=jnp.float32) * 0.05
    b1 = jnp.zeros((DEEP[0],), dtype=jnp.float32)
    W2 = jax.random.normal(ks[5], (DEEP[0], DEEP[1]), dtype=jnp.float32) * 0.05
    b2 = jnp.zeros((DEEP[1],), dtype=jnp.float32)
    bias = jax.random.normal(ks[6], (1,), dtype=jnp.float32)
    return {"Xi": Xi, "Xv": Xv, "first_tables": first_tables,
            "second_tables": second_tables, "W1": W1, "b1": b1,
            "W2": W2, "b2": b2, "bias": bias}


def reference(Xi, Xv, first_tables, second_tables, W1, b1, W2, b2, bias):
    # DeepFM forward (eval mode: dropout disabled, no batch norm)
    idx = Xi[:, :, 0]  # [B, F]
    f_idx = jnp.arange(FIELD_SIZE)[None, :]  # [1, F]
    # fm first order: gather per-field scalar embedding, scale by Xv
    first_emb = first_tables[f_idx, idx]            # [B, F, 1]
    fm_first_order = first_emb[..., 0] * Xv          # [B, F] (== torch.cat of per-field [B,1])
    # fm second order: gather per-field dense embedding, scale by Xv
    second_emb = second_tables[f_idx, idx]           # [B, F, D]
    fm_2nd_arr = second_emb * Xv[..., None]          # [B, F, D]
    fm_sum = jnp.sum(fm_2nd_arr, axis=1)             # [B, D]
    fm_sum_sq = fm_sum * fm_sum
    fm_sq_sum = jnp.sum(fm_2nd_arr * fm_2nd_arr, axis=1)
    fm_second_order = 0.5 * (fm_sum_sq - fm_sq_sum)  # [B, D]
    # deep part: concat second-order field embeddings, 2-layer relu MLP
    deep_emb = fm_2nd_arr.reshape(fm_2nd_arr.shape[0], FIELD_SIZE * EMBED_DIM)
    x_deep = jax.nn.relu(deep_emb @ W1 + b1)
    x_deep = jax.nn.relu(x_deep @ W2 + b2)
    total_sum = (jnp.sum(fm_first_order, axis=1)
                 + jnp.sum(fm_second_order, axis=1)
                 + jnp.sum(x_deep, axis=1)
                 + bias[0])
    return total_sum

if __name__ == "__main__":
    import jax
    _d = setup_inputs()
    print(jax.jit(kernel)(*tuple(_d.values())))

</pallas_src>

<mosaic_0001>
#map = affine_map<(d0, d1) -> (0, 0)>
#map1 = affine_map<(d0, d1) -> (0, 0, 0)>
module attributes {stable_mosaic.version = 14 : i64} {
  func.func @sc_kernel(%arg0: i32, %arg1: i32, %arg2: memref<3328x128xi32, #tpu.memory_space<hbm>>, %arg3: memref<2600000x16xf32, #tpu.memory_space<hbm>>, %arg4: memref<162500x16xf32, #tpu.memory_space<hbm>>, %arg5: memref<3328x128x16xf32, #tpu.memory_space<hbm>>, %arg6: memref<3328x128xf32, #tpu.memory_space<hbm>>, %arg7: memref<8x128xi32, #tpu.memory_space<vmem>>, %arg8: memref<8x128xi32, #tpu.memory_space<vmem>>, %arg9: memref<8x128xi32, #tpu.memory_space<vmem>>, %arg10: memref<8x128xi32, #tpu.memory_space<vmem>>, %arg11: memref<8x128x16xf32, #tpu.memory_space<vmem>>, %arg12: memref<8x128x16xf32, #tpu.memory_space<vmem>>, %arg13: memref<8x128xf32, #tpu.memory_space<vmem>>, %arg14: memref<!tpu.dma_semaphore, #tpu.memory_space<semaphore_mem>>) attributes {dimension_semantics = [#tpu.dimension_semantics<core_parallel>, #tpu.dimension_semantics<subcore_parallel>], iteration_bounds = array<i64: 2, 16>, scalar_prefetch = 0 : i64, scratch_operands = 8 : i64, tpu.core_type = #tpu.core_type<sc_vector_subcore>, window_params = [{transform_indices = #map}, {transform_indices = #map}, {transform_indices = #map}, {transform_indices = #map1}, {transform_indices = #map}]} {
    %mul3A = arith.constant 16 : i32
    %mul3A_0 = arith.muli %arg0, %mul3A : i32
    %add3A = arith.addi %mul3A_0, %arg1 : i32
    %iota3A = tpu.iota {dimensions = array<i32: 0>} : vector<16xi32>
    %scan3A = arith.constant 0 : i32
    %scan3A_1 = arith.constant 13 : i32
    %scan3A_2 = arith.addi %scan3A, %scan3A_1 : i32
    %scan3A_3 = arith.constant 1 : i32
    scf.for %scan3A_5 = %scan3A to %scan3A_2 step %scan3A_3  : i32 {
      %mul3A_6 = arith.constant 1 : i32
      %mul3A_7 = arith.muli %scan3A_5, %mul3A_6 : i32
      %add3A_8 = arith.constant 0 : i32
      %add3A_9 = arith.addi %add3A_8, %mul3A_7 : i32
      %mul3A_10 = arith.constant 104 : i32
      %mul3A_11 = arith.muli %add3A, %mul3A_10 : i32
      %mul3A_12 = arith.constant 8 : i32
      %mul3A_13 = arith.muli %add3A_9, %mul3A_12 : i32
      %add3A_14 = arith.addi %mul3A_11, %mul3A_13 : i32
      "tpu.region"() ({
        %run_scoped3A = tpu.sem_alloc : memref<!tpu.dma_semaphore, #tpu.memory_space<semaphore_mem>>
        %dma_start3A = arith.constant 0 : i32
        %dma_start3A_30 = tpu.memref_slice %arg2[%add3A_14, %dma_start3A] : memref<3328x128xi32, #tpu.memory_space<hbm>> -> memref<8x128xi32, #tpu.memory_space<hbm>>
        %dma_start3A_31 = arith.constant 0 : i32
        %dma_start3A_32 = tpu.memref_slice %arg2[%add3A_14, %dma_start3A_31] : memref<3328x128xi32, #tpu.memory_space<hbm>> -> memref<8x128xi32, #tpu.memory_space<hbm>>
        tpu.enqueue_dma source(%dma_start3A_32 : memref<8x128xi32, #tpu.memory_space<hbm>>) target(%arg7 : memref<8x128xi32, #tpu.memory_space<vmem>>) target_semaphore(%run_scoped3A : memref<!tpu.dma_semaphore, #tpu.memory_space<semaphore_mem>>)
        %dma_wait3A = arith.constant 0 : i32
        %dma_wait3A_33 = tpu.memref_slice %arg2[%add3A_14, %dma_wait3A] : memref<3328x128xi32, #tpu.memory_space<hbm>> -> memref<8x128xi32, #tpu.memory_space<hbm>>
        %dma_wait3A_34 = arith.constant 0 : i32
        %dma_wait3A_35 = tpu.memref_slice %arg2[%add3A_14, %dma_wait3A_34] : memref<3328x128xi32, #tpu.memory_space<hbm>> -> memref<8x128xi32, #tpu.memory_space<hbm>>
        tpu.wait_dma2 semaphore(%run_scoped3A : memref<!tpu.dma_semaphore, #tpu.memory_space<semaphore_mem>>) src(%dma_wait3A_35 : memref<8x128xi32, #tpu.memory_space<hbm>>) dst(%arg7 : memref<8x128xi32, #tpu.memory_space<vmem>>)
        tpu.yield
      }) : () -> ()
      %scan3A_15 = arith.constant 0 : i32
      %scan3A_16 = arith.constant 8 : i32
      %scan3A_17 = arith.addi %scan3A_15, %scan3A_16 : i32
      %scan3A_18 = arith.constant 1 : i32
      scf.for %scan3A_30 = %scan3A_15 to %scan3A_17 step %scan3A_18  : i32 {
        %mul3A_31 = arith.constant 1 : i32
        %mul3A_32 = arith.muli %scan3A_30, %mul3A_31 : i32
        %add3A_33 = arith.constant 0 : i32
        %add3A_34 = arith.addi %add3A_33, %mul3A_32 : i32
        %add3A_35 = arith.addi %add3A_14, %add3A_34 : i32
        %mul3A_36 = arith.constant 128 : i32
        %mul3A_37 = arith.muli %add3A_35, %mul3A_36 : i32
        %add3A_38 = arith.constant 0 : i32
        %add3A_39 = arith.addi %mul3A_37, %add3A_38 : i32
        %add3A_40 = vector.broadcast %add3A_39 : i32 to vector<16xi32>
        %add3A_41 = arith.addi %add3A_40, %iota3A : vector<16xi32>
        %jit3A = arith.constant 26 : i32
        %eq3A = arith.constant 0 : i32
        %eq3A_42 = arith.cmpi eq, %jit3A, %eq3A : i32
        %jit3A_43 = arith.constant 1 : i32
        %select_n3A = arith.select %eq3A_42, %jit3A_43, %jit3A : i32
        %rem3A = vector.broadcast %select_n3A : i32 to vector<16xi32>
        %rem3A_44 = arith.remsi %add3A_41, %rem3A : vector<16xi32>
        %ne3A = arith.constant 0 : i32
        %ne3A_45 = vector.broadcast %ne3A : i32 to vector<16xi32>
        %ne3A_46 = arith.cmpi ne, %rem3A_44, %ne3A_45 : vector<16xi32>
        %lt3A = arith.constant 0 : i32
        %lt3A_47 = vector.broadcast %lt3A : i32 to vector<16xi32>
        %lt3A_48 = arith.cmpi slt, %rem3A_44, %lt3A_47 : vector<16xi32>
        %lt3A_49 = arith.constant 0 : i32
        %lt3A_50 = arith.cmpi slt, %select_n3A, %lt3A_49 : i32
        %ne3A_51 = vector.broadcast %lt3A_50 : i1 to vector<16xi1>
        %ne3A_52 = vector.broadcast %ne3A_51 : vector<16xi1> to vector<16xi1>
        %ne3A_53 = arith.xori %lt3A_48, %ne3A_52 : vector<16xi1>
        %and3A = arith.andi %ne3A_53, %ne3A_46 : vector<16xi1>
        %add3A_54 = vector.broadcast %select_n3A : i32 to vector<16xi32>
        %add3A_55 = arith.addi %rem3A_44, %add3A_54 : vector<16xi32>
        %select_n3A_56 = arith.select %and3A, %add3A_55, %rem3A_44 : vector<16xi1>, vector<16xi32>
        %mul3A_57 = arith.constant 100000 : i32
        %mul3A_58 = vector.broadcast %mul3A_57 : i32 to vector<16xi32>
        %mul3A_59 = arith.muli %select_n3A_56, %mul3A_58 : vector<16xi32>
        %get3A = arith.index_cast %add3A_34 : i32 to index
        %get3A_60 = arith.constant 0 : index
        %get3A_61 = tpu.vector_load %arg7[%get3A, %get3A_60] {strides = array<i32>} : memref<8x128xi32, #tpu.memory_space<vmem>>, vector<16xi32>,
        %add3A_62 = arith.addi %mul3A_59, %get3A_61 : vector<16xi32>
        %swap3A = arith.index_cast %add3A_34 : i32 to index
        %swap3A_63 = arith.constant 0 : index
        %swap3A_64 = tpu.vector_load %arg8[%swap3A, %swap3A_63] {strides = array<i32>} : memref<8x128xi32, #tpu.memory_space<vmem>>, vector<16xi32>,
        tpu.vector_store %arg8[%swap3A, %swap3A_63], %add3A_62 {strides = array<i32>} : memref<8x128xi32, #tpu.memory_space<vmem>>, vector<16xi32>,
        %shift_right_logical3A = arith.constant 4 : i32
        %shift_right_logical3A_65 = vector.broadcast %shift_right_logical3A : i32 to vector<16xi32>
        %shift_right_logical3A_66 = arith.shrui %add3A_62, %shift_right_logical3A_65 : vector<16xi32>
        %swap3A_67 = arith.index_cast %add3A_34 : i32 to index
        %swap3A_68 = arith.constant 0 : index
        %swap3A_69 = tpu.vector_load %arg9[%swap3A_67, %swap3A_68] {strides = array<i32>} : memref<8x128xi32, #tpu.memory_space<vmem>>, vector<16xi32>,
        tpu.vector_store %arg9[%swap3A_67, %swap3A_68], %shift_right_logical3A_66 {strides = array<i32>} : memref<8x128xi32, #tpu.memory_space<vmem>>, vector<16xi32>,
        %and3A_70 = arith.constant 15 : i32
        %and3A_71 = vector.broadcast %and3A_70 : i32 to vector<16xi32>
        %and3A_72 = arith.andi %add3A_62, %and3A_71 : vector<16xi32>
        %swap3A_73 = arith.index_cast %add3A_34 : i32 to index
        %swap3A_74 = arith.constant 0 : index
        %swap3A_75 = tpu.vector_load %arg10[%swap3A_73, %swap3A_74] {strides = array<i32>} : memref<8x128xi32, #tpu.memory_space<vmem>>, vector<16xi32>,
        tpu.vector_store %arg10[%swap3A_73, %swap3A_74], %and3A_72 {strides = array<i32>} : memref<8x128xi32, #tpu.memory_space<vmem>>, vector<16xi32>,
        %add3A_76 = arith.addi %add3A_14, %add3A_34 : i32
        %mul3A_77 = arith.constant 128 : i32
        %mul3A_78 = arith.muli %add3A_76, %mul3A_77 : i32
        %add3A_79 = arith.constant 16 : i32
        %add3A_80 = arith.addi %mul3A_78, %add3A_79 : i32
        %add3A_81 = vector.broadcast %add3A_80 : i32 to vector<16xi32>
        %add3A_82 = arith.addi %add3A_81, %iota3A : vector<16xi32>
        %jit3A_83 = arith.constant 26 : i32
        %eq3A_84 = arith.constant 0 : i32
        %eq3A_85 = arith.cmpi eq, %jit3A_83, %eq3A_84 : i32
        %jit3A_86 = arith.constant 1 : i32
        %select_n3A_87 = arith.select %eq3A_85, %jit3A_86, %jit3A_83 : i32
        %rem3A_88 = vector.broadcast %select_n3A_87 : i32 to vector<16xi32>
        %rem3A_89 = arith.remsi %add3A_82, %rem3A_88 : vector<16xi32>
        %ne3A_90 = arith.constant 0 : i32
        %ne3A_91 = vector.broadcast %ne3A_90 : i32 to vector<16xi32>
        %ne3A_92 = arith.cmpi ne, %rem3A_89, %ne3A_91 : vector<16xi32>
        %lt3A_93 = arith.constant 0 : i32
        %lt3A_94 = vector.broadcast %lt3A_93 : i32 to vector<16xi32>
        %lt3A_95 = arith.cmpi slt, %rem3A_89, %lt3A_94 : vector<16xi32>
        %lt3A_96 = arith.constant 0 : i32
        %lt3A_97 = arith.cmpi slt, %select_n3A_87, %lt3A_96 : i32
        %ne3A_98 = vector.broadcast %lt3A_97 : i1 to vector<16xi1>
        %ne3A_99 = vector.broadcast %ne3A_98 : vector<16xi1> to vector<16xi1>
        %ne3A_100 = arith.xori %lt3A_95, %ne3A_99 : vector<16xi1>
        %and3A_101 = arith.andi %ne3A_100, %ne3A_92 : vector<16xi1>
        %add3A_102 = vector.broadcast %select_n3A_87 : i32 to vector<16xi32>
        %add3A_103 = arith.addi %rem3A_89, %add3A_102 : vector<16xi32>
        %select_n3A_104 = arith.select %and3A_101, %add3A_103, %rem3A_89 : vector<16xi1>, vector<16xi32>
        %mul3A_105 = arith.constant 100000 : i32
        %mul3A_106 = vector.broadcast %mul3A_105 : i32 to vector<16xi32>
        %mul3A_107 = arith.muli %select_n3A_104, %mul3A_106 : vector<16xi32>
        %get3A_108 = arith.index_cast %add3A_34 : i32 to index
        %get3A_109 = arith.constant 16 : index
        %get3A_110 = tpu.vector_load %arg7[%get3A_108, %get3A_109] {strides = array<i32>} : memref<8x128xi32, #tpu.memory_space<vmem>>, vector<16xi32>,
        %add3A_111 = arith.addi %mul3A_107, %get3A_110 : vector<16xi32>
        %swap3A_112 = arith.index_cast %add3A_34 : i32 to index
        %swap3A_113 = arith.constant 16 : index
        %swap3A_114 = tpu.vector_load %arg8[%swap3A_112, %swap3A_113] {strides = array<i32>} : memref<8x128xi32, #tpu.memory_space<vmem>>, vector<16xi32>,
        tpu.vector_store %arg8[%swap3A_112, %swap3A_113], %add3A_111 {strides = array<i32>} : memref<8x128xi32, #tpu.memory_space<vmem>>, vector<16xi32>,
        %shift_right_logical3A_115 = arith.constant 4 : i32
        %shift_right_logical3A_116 = vector.broadcast %shift_right_logical3A_115 : i32 to vector<16xi32>
        %shift_right_logical3A_117 = arith.shrui %add3A_111, %shift_right_logical3A_116 : vector<16xi32>
        %swap3A_118 = arith.index_cast %add3A_34 : i32 to index
        %swap3A_119 = arith.constant 16 : index
        %swap3A_120 = tpu.vector_load %arg9[%swap3A_118, %swap3A_119] {strides = array<i32>} : memref<8x128xi32, #tpu.memory_space<vmem>>, vector<16xi32>,
        tpu.vector_store %arg9[%swap3A_118, %swap3A_119], %shift_right_logical3A_117 {strides = array<i32>} : memref<8x128xi32, #tpu.memory_space<vmem>>, vector<16xi32>,
        %and3A_121 = arith.constant 15 : i32
        %and3A_122 = vector.broadcast %and3A_121 : i32 to vector<16xi32>
        %and3A_123 = arith.andi %add3A_111, %and3A_122 : vector<16xi32>
        %swap3A_124 = arith.index_cast %add3A_34 : i32 to index
        %swap3A_125 = arith.constant 16 : index
        %swap3A_126 = tpu.vector_load %arg10[%swap3A_124, %swap3A_125] {strides = array<i32>} : memref<8x128xi32, #tpu.memory_space<vmem>>, vector<16xi32>,
        tpu.vector_store %arg10[%swap3A_124, %swap3A_125], %and3A_123 {strides = array<i32>} : memref<8x128xi32, #tpu.memory_space<vmem>>, vector<16xi32>,
        %add3A_127 = arith.addi %add3A_14, %add3A_34 : i32
        %mul3A_128 = arith.constant 128 : i32
        %mul3A_129 = arith.muli %add3A_127, %mul3A_128 : i32
        %add3A_130 = arith.constant 32 : i32
        %add3A_131 = arith.addi %mul3A_129, %add3A_130 : i32
        %add3A_132 = vector.broadcast %add3A_131 : i32 to vector<16xi32>
        %add3A_133 = arith.addi %add3A_132, %iota3A : vector<16xi32>
        %jit3A_134 = arith.constant 26 : i32
        %eq3A_135 = arith.constant 0 : i32
        %eq3A_136 = arith.cmpi eq, %jit3A_134, %eq3A_135 : i32
        %jit3A_137 = arith.constant 1 : i32
        %select_n3A_138 = arith.select %eq3A_136, %jit3A_137, %jit3A_134 : i32
        %rem3A_139 = vector.broadcast %select_n3A_138 : i32 to vector<16xi32>
        %rem3A_140 = arith.remsi %add3A_133, %rem3A_139 : vector<16xi32>
        %ne3A_141 = arith.constant 0 : i32
        %ne3A_142 = vector.broadcast %ne3A_141 : i32 to vector<16xi32>
        %ne3A_143 = arith.cmpi ne, %rem3A_140, %ne3A_142 : vector<16xi32>
        %lt3A_144 = arith.constant 0 : i32
        %lt3A_145 = vector.broadcast %lt3A_144 : i32 to vector<16xi32>
        %lt3A_146 = arith.cmpi slt, %rem3A_140, %lt3A_145 : vector<16xi32>
        %lt3A_147 = arith.constant 0 : i32
        %lt3A_148 = arith.cmpi slt, %select_n3A_138, %lt3A_147 : i32
        %ne3A_149 = vector.broadcast %lt3A_148 : i1 to vector<16xi1>
        %ne3A_150 = vector.broadcast %ne3A_149 : vector<16xi1> to vector<16xi1>
        %ne3A_151 = arith.xori %lt3A_146, %ne3A_150 : vector<16xi1>
        %and3A_152 = arith.andi %ne3A_151, %ne3A_143 : vector<16xi1>
        %add3A_153 = vector.broadcast %select_n3A_138 : i32 to vector<16xi32>
        %add3A_154 = arith.addi %rem3A_140, %add3A_153 : vector<16xi32>
        %select_n3A_155 = arith.select %and3A_152, %add3A_154, %rem3A_140 : vector<16xi1>, vector<16xi32>
        %mul3A_156 = arith.constant 100000 : i32
        %mul3A_157 = vector.broadcast %mul3A_156 : i32 to vector<16xi32>
        %mul3A_158 = arith.muli %select_n3A_155, %mul3A_157 : vector<16xi32>
        %get3A_159 = arith.index_cast %add3A_34 : i32 to index
        %get3A_160 = arith.constant 32 : index
        %get3A_161 = tpu.vector_load %arg7[%get3A_159, %get3A_160] {strides = array<i32>} : memref<8x128xi32, #tpu.memory_space<vmem>>, vector<16xi32>,
        %add3A_162 = arith.addi %mul3A_158, %get3A_161 : vector<16xi32>
        %swap3A_163 = arith.index_cast %add3A_34 : i32 to index
        %swap3A_164 = arith.constant 32 : index
        %swap3A_165 = tpu.vector_load %arg8[%swap3A_163, %swap3A_164] {strides = array<i32>} : memref<8x128xi32, #tpu.memory_space<vmem>>, vector<16xi32>,
        tpu.vector_store %arg8[%swap3A_163, %swap3A_164], %add3A_162 {strides = array<i32>} : memref<8x128xi32, #tpu.memory_space<vmem>>, vector<16xi32>,
        %shift_right_logical3A_166 = arith.constant 4 : i32
        %shift_right_logical3A_167 = vector.broadcast %shift_right_logical3A_166 : i32 to vector<16xi32>
        %shift_right_logical3A_168 = arith.shrui %add3A_162, %shift_right_logical3A_167 : vector<16xi32>
        %swap3A_169 = arith.index_cast %add3A_34 : i32 to index
        %swap3A_170 = arith.constant 32 : index
        %swap3A_171 = tpu.vector_load %arg9[%swap3A_169, %swap3A_170] {strides = array<i32>} : memref<8x128xi32, #tpu.memory_space<vmem>>, vector<16xi32>,
        tpu.vector_store %arg9[%swap3A_169, %swap3A_170], %shift_right_logical3A_168 {strides = array<i32>} : memref<8x128xi32, #tpu.memory_space<vmem>>, vector<16xi32>,
        %and3A_172 = arith.constant 15 : i32
        %and3A_173 = vector.broadcast %and3A_172 : i32 to vector<16xi32>
        %and3A_174 = arith.andi %add3A_162, %and3A_173 : vector<16xi32>
        %swap3A_175 = arith.index_cast %add3A_34 : i32 to index
        %swap3A_176 = arith.constant 32 : index
        %swap3A_177 = tpu.vector_load %arg10[%swap3A_175, %swap3A_176] {strides = array<i32>} : memref<8x128xi32, #tpu.memory_space<vmem>>, vector<16xi32>,
        tpu.vector_store %arg10[%swap3A_175, %swap3A_176], %and3A_174 {strides = array<i32>} : memref<8x128xi32, #tpu.memory_space<vmem>>, vector<16xi32>,
        %add3A_178 = arith.addi %add3A_14, %add3A_34 : i32
        %mul3A_179 = arith.constant 128 : i32
        %mul3A_180 = arith.muli %add3A_178, %mul3A_179 : i32
        %add3A_181 = arith.constant 48 : i32
        %add3A_182 = arith.addi %mul3A_180, %add3A_181 : i32
        %add3A_183 = vector.broadcast %add3A_182 : i32 to vector<16xi32>
        %add3A_184 = arith.addi %add3A_183, %iota3A : vector<16xi32>
        %jit3A_185 = arith.constant 26 : i32
        %eq3A_186 = arith.constant 0 : i32
        %eq3A_187 = arith.cmpi eq, %jit3A_185, %eq3A_186 : i32
        %jit3A_188 = arith.constant 1 : i32
        %select_n3A_189 = arith.select %eq3A_187, %jit3A_188, %jit3A_185 : i32
        %rem3A_190 = vector.broadcast %select_n3A_189 : i32 to vector<16xi32>
        %rem3A_191 = arith.remsi %add3A_184, %rem3A_190 : vector<16xi32>
        %ne3A_192 = arith.constant 0 : i32
        %ne3A_193 = vector.broadcast %ne3A_192 : i32 to vector<16xi32>
        %ne3A_194 = arith.cmpi ne, %rem3A_191, %ne3A_193 : vector<16xi32>
        %lt3A_195 = arith.constant 0 : i32
        %lt3A_196 = vector.broadcast %lt3A_195 : i32 to vector<16xi32>
        %lt3A_197 = arith.cmpi slt, %rem3A_191, %lt3A_196 : vector<16xi32>
        %lt3A_198 = arith.constant 0 : i32
        %lt3A_199 = arith.cmpi slt, %select_n3A_189, %lt3A_198 : i32
        %ne3A_200 = vector.broadcast %lt3A_199 : i1 to vector<16xi1>
        %ne3A_201 = vector.broadcast %ne3A_200 : vector<16xi1> to vector<16xi1>
        %ne3A_202 = arith.xori %lt3A_197, %ne3A_201 : vector<16xi1>
        %and3A_203 = arith.andi %ne3A_202, %ne3A_194 : vector<16xi1>
        %add3A_204 = vector.broadcast %select_n3A_189 : i32 to vector<16xi32>
        %add3A_205 = arith.addi %rem3A_191, %add3A_204 : vector<16xi32>
        %select_n3A_206 = arith.select %and3A_203, %add3A_205, %rem3A_191 : vector<16xi1>, vector<16xi32>
        %mul3A_207 = arith.constant 100000 : i32
        %mul3A_208 = vector.broadcast %mul3A_207 : i32 to vector<16xi32>
        %mul3A_209 = arith.muli %select_n3A_206, %mul3A_208 : vector<16xi32>
        %get3A_210 = arith.index_cast %add3A_34 : i32 to index
        %get3A_211 = arith.constant 48 : index
        %get3A_212 = tpu.vector_load %arg7[%get3A_210, %get3A_211] {strides = array<i32>} : memref<8x128xi32, #tpu.memory_space<vmem>>, vector<16xi32>,
        %add3A_213 = arith.addi %mul3A_209, %get3A_212 : vector<16xi32>
        %swap3A_214 = arith.index_cast %add3A_34 : i32 to index
        %swap3A_215 = arith.constant 48 : index
        %swap3A_216 = tpu.vector_load %arg8[%swap3A_214, %swap3A_215] {strides = array<i32>} : memref<8x128xi32, #tpu.memory_space<vmem>>, vector<16xi32>,
        tpu.vector_store %arg8[%swap3A_214, %swap3A_215], %add3A_213 {strides = array<i32>} : memref<8x128xi32, #tpu.memory_space<vmem>>, vector<16xi32>,
        %shift_right_logical3A_217 = arith.constant 4 : i32
        %shift_right_logical3A_218 = vector.broadcast %shift_right_logical3A_217 : i32 to vector<16xi32>
        %shift_right_logical3A_219 = arith.shrui %add3A_213, %shift_right_logical3A_218 : vector<16xi32>
        %swap3A_220 = arith.index_cast %add3A_34 : i32 to index
        %swap3A_221 = arith.constant 48 : index
        %swap3A_222 = tpu.vector_load %arg9[%swap3A_220, %swap3A_221] {strides = array<i32>} : memref<8x128xi32, #tpu.memory_space<vmem>>, vector<16xi32>,
        tpu.vector_store %arg9[%swap3A_220, %swap3A_221], %shift_right_logical3A_219 {strides = array<i32>} : memref<8x128xi32, #tpu.memory_space<vmem>>, vector<16xi32>,
        %and3A_223 = arith.constant 15 : i32
        %and3A_224 = vector.broadcast %and3A_223 : i32 to vector<16xi32>
        %and3A_225 = arith.andi %add3A_213, %and3A_224 : vector<16xi32>
        %swap3A_226 = arith.index_cast %add3A_34 : i32 to index
        %swap3A_227 = arith.constant 48 : index
        %swap3A_228 = tpu.vector_load %arg10[%swap3A_226, %swap3A_227] {strides = array<i32>} : memref<8x128xi32, #tpu.memory_space<vmem>>, vector<16xi32>,
        tpu.vector_store %arg10[%swap3A_226, %swap3A_227], %and3A_225 {strides = array<i32>} : memref<8x128xi32, #tpu.memory_space<vmem>>, vector<16xi32>,
        %add3A_229 = arith.addi %add3A_14, %add3A_34 : i32
        %mul3A_230 = arith.constant 128 : i32
        %mul3A_231 = arith.muli %add3A_229, %mul3A_230 : i32
        %add3A_232 = arith.constant 64 : i32
        %add3A_233 = arith.addi %mul3A_231, %add3A_232 : i32
        %add3A_234 = vector.broadcast %add3A_233 : i32 to vector<16xi32>
        %add3A_235 = arith.addi %add3A_234, %iota3A : vector<16xi32>
        %jit3A_236 = arith.constant 26 : i32
        %eq3A_237 = arith.constant 0 : i32
        %eq3A_238 = arith.cmpi eq, %jit3A_236, %eq3A_237 : i32
        %jit3A_239 = arith.constant 1 : i32
        %select_n3A_240 = arith.select %eq3A_238, %jit3A_239, %jit3A_236 : i32
        %rem3A_241 = vector.broadcast %select_n3A_240 : i32 to vector<16xi32>
        %rem3A_242 = arith.remsi %add3A_235, %rem3A_241 : vector<16xi32>
        %ne3A_243 = arith.constant 0 : i32
        %ne3A_244 = vector.broadcast %ne3A_243 : i32 to vector<16xi32>
        %ne3A_245 = arith.cmpi ne, %rem3A_242, %ne3A_244 : vector<16xi32>
        %lt3A_246 = arith.constant 0 : i32
        %lt3A_247 = vector.broadcast %lt3A_246 : i32 to vector<16xi32>
        %lt3A_248 = arith.cmpi slt, %rem3A_242, %lt3A_247 : vector<16xi32>
        %lt3A_249 = arith.constant 0 : i32
        %lt3A_250 = arith.cmpi slt, %select_n3A_240, %lt3A_249 : i32
        %ne3A_251 = vector.broadcast %lt3A_250 : i1 to vector<16xi1>
        %ne3A_252 = vector.broadcast %ne3A_251 : vector<16xi1> to vector<16xi1>
        %ne3A_253 = arith.xori %lt3A_248, %ne3A_252 : vector<16xi1>
        %and3A_254 = arith.andi %ne3A_253, %ne3A_245 : vector<16xi1>
        %add3A_255 = vector.broadcast %select_n3A_240 : i32 to vector<16xi32>
        %add3A_256 = arith.addi %rem3A_242, %add3A_255 : vector<16xi32>
        %select_n3A_257 = arith.select %and3A_254, %add3A_256, %rem3A_242 : vector<16xi1>, vector<16xi32>
        %mul3A_258 = arith.constant 100000 : i32
        %mul3A_259 = vector.broadcast %mul3A_258 : i32 to vector<16xi32>
        %mul3A_260 = arith.muli %select_n3A_257, %mul3A_259 : vector<16xi32>
        %get3A_261 = arith.index_cast %add3A_34 : i32 to index
        %get3A_262 = arith.constant 64 : index
        %get3A_263 = tpu.vector_load %arg7[%get3A_261, %get3A_262] {strides = array<i32>} : memref<8x128xi32, #tpu.memory_space<vmem>>, vector<16xi32>,
        %add3A_264 = arith.addi %mul3A_260, %get3A_263 : vector<16xi32>
        %swap3A_265 = arith.index_cast %add3A_34 : i32 to index
        %swap3A_266 = arith.constant 64 : index
        %swap3A_267 = tpu.vector_load %arg8[%swap3A_265, %swap3A_266] {strides = array<i32>} : memref<8x128xi32, #tpu.memory_space<vmem>>, vector<16xi32>,
        tpu.vector_store %arg8[%swap3A_265, %swap3A_266], %add3A_264 {strides = array<i32>} : memref<8x128xi32, #tpu.memory_space<vmem>>, vector<16xi32>,
        %shift_right_logical3A_268 = arith.constant 4 : i32
        %shift_right_logical3A_269 = vector.broadcast %shift_right_logical3A_268 : i32 to vector<16xi32>
        %shift_right_logical3A_270 = arith.shrui %add3A_264, %shift_right_logical3A_269 : vector<16xi32>
        %swap3A_271 = arith.index_cast %add3A_34 : i32 to index
        %swap3A_272 = arith.constant 64 : index
        %swap3A_273 = tpu.vector_load %arg9[%swap3A_271, %swap3A_272] {strides = array<i32>} : memref<8x128xi32, #tpu.memory_space<vmem>>, vector<16xi32>,
        tpu.vector_store %arg9[%swap3A_271, %swap3A_272], %shift_right_logical3A_270 {strides = array<i32>} : memref<8x128xi32, #tpu.memory_space<vmem>>, vector<16xi32>,
        %and3A_274 = arith.constant 15 : i32
        %and3A_275 = vector.broadcast %and3A_274 : i32 to vector<16xi32>
        %and3A_276 = arith.andi %add3A_264, %and3A_275 : vector<16xi32>
        %swap3A_277 = arith.index_cast %add3A_34 : i32 to index
        %swap3A_278 = arith.constant 64 : index
        %swap3A_279 = tpu.vector_load %arg10[%swap3A_277, %swap3A_278] {strides = array<i32>} : memref<8x128xi32, #tpu.memory_space<vmem>>, vector<16xi32>,
        tpu.vector_store %arg10[%swap3A_277, %swap3A_278], %and3A_276 {strides = array<i32>} : memref<8x128xi32, #tpu.memory_space<vmem>>, vector<16xi32>,
        %add3A_280 = arith.addi %add3A_14, %add3A_34 : i32
        %mul3A_281 = arith.constant 128 : i32
        %mul3A_282 = arith.muli %add3A_280, %mul3A_281 : i32
        %add3A_283 = arith.constant 80 : i32
        %add3A_284 = arith.addi %mul3A_282, %add3A_283 : i32
        %add3A_285 = vector.broadcast %add3A_284 : i32 to vector<16xi32>
        %add3A_286 = arith.addi %add3A_285, %iota3A : vector<16xi32>
        %jit3A_287 = arith.constant 26 : i32
        %eq3A_288 = arith.constant 0 : i32
        %eq3A_289 = arith.cmpi eq, %jit3A_287, %eq3A_288 : i32
        %jit3A_290 = arith.constant 1 : i32
        %select_n3A_291 = arith.select %eq3A_289, %jit3A_290, %jit3A_287 : i32
        %rem3A_292 = vector.broadcast %select_n3A_291 : i32 to vector<16xi32>
        %rem3A_293 = arith.remsi %add3A_286, %rem3A_292 : vector<16xi32>
        %ne3A_294 = arith.constant 0 : i32
        %ne3A_295 = vector.broadcast %ne3A_294 : i32 to vector<16xi32>
        %ne3A_296 = arith.cmpi ne, %rem3A_293, %ne3A_295 : vector<16xi32>
        %lt3A_297 = arith.constant 0 : i32
        %lt3A_298 = vector.broadcast %lt3A_297 : i32 to vector<16xi32>
        %lt3A_299 = arith.cmpi slt, %rem3A_293, %lt3A_298 : vector<16xi32>
        %lt3A_300 = arith.constant 0 : i32
        %lt3A_301 = arith.cmpi slt, %select_n3A_291, %lt3A_300 : i32
        %ne3A_302 = vector.broadcast %lt3A_301 : i1 to vector<16xi1>
        %ne3A_303 = vector.broadcast %ne3A_302 : vector<16xi1> to vector<16xi1>
        %ne3A_304 = arith.xori %lt3A_299, %ne3A_303 : vector<16xi1>
        %and3A_305 = arith.andi %ne3A_304, %ne3A_296 : vector<16xi1>
        %add3A_306 = vector.broadcast %select_n3A_291 : i32 to vector<16xi32>
        %add3A_307 = arith.addi %rem3A_293, %add3A_306 : vector<16xi32>
        %select_n3A_308 = arith.select %and3A_305, %add3A_307, %rem3A_293 : vector<16xi1>, vector<16xi32>
        %mul3A_309 = arith.constant 100000 : i32
        %mul3A_310 = vector.broadcast %mul3A_309 : i32 to vector<16xi32>
        %mul3A_311 = arith.muli %select_n3A_308, %mul3A_310 : vector<16xi32>
        %get3A_312 = arith.index_cast %add3A_34 : i32 to index
        %get3A_313 = arith.constant 80 : index
        %get3A_314 = tpu.vector_load %arg7[%get3A_312, %get3A_313] {strides = array<i32>} : memref<8x128xi32, #tpu.memory_space<vmem>>, vector<16xi32>,
        %add3A_315 = arith.addi %mul3A_311, %get3A_314 : vector<16xi32>
        %swap3A_316 = arith.index_cast %add3A_34 : i32 to index
        %swap3A_317 = arith.constant 80 : index
        %swap3A_318 = tpu.vector_load %arg8[%swap3A_316, %swap3A_317] {strides = array<i32>} : memref<8x128xi32, #tpu.memory_space<vmem>>, vector<16xi32>,
        tpu.vector_store %arg8[%swap3A_316, %swap3A_317], %add3A_315 {strides = array<i32>} : memref<8x128xi32, #tpu.memory_space<vmem>>, vector<16xi32>,
        %shift_right_logical3A_319 = arith.constant 4 : i32
        %shift_right_logical3A_320 = vector.broadcast %shift_right_logical3A_319 : i32 to vector<16xi32>
        %shift_right_logical3A_321 = arith.shrui %add3A_315, %shift_right_logical3A_320 : vector<16xi32>
        %swap3A_322 = arith.index_cast %add3A_34 : i32 to index
        %swap3A_323 = arith.constant 80 : index
        %swap3A_324 = tpu.vector_load %arg9[%swap3A_322, %swap3A_323] {strides = array<i32>} : memref<8x128xi32, #tpu.memory_space<vmem>>, vector<16xi32>,
        tpu.vector_store %arg9[%swap3A_322, %swap3A_323], %shift_right_logical3A_321 {strides = array<i32>} : memref<8x128xi32, #tpu.memory_space<vmem>>, vector<16xi32>,
        %and3A_325 = arith.constant 15 : i32
        %and3A_326 = vector.broadcast %and3A_325 : i32 to vector<16xi32>
        %and3A_327 = arith.andi %add3A_315, %and3A_326 : vector<16xi32>
        %swap3A_328 = arith.index_cast %add3A_34 : i32 to index
        %swap3A_329 = arith.constant 80 : index
        %swap3A_330 = tpu.vector_load %arg10[%swap3A_328, %swap3A_329] {strides = array<i32>} : memref<8x128xi32, #tpu.memory_space<vmem>>, vector<16xi32>,
        tpu.vector_store %arg10[%swap3A_328, %swap3A_329], %and3A_327 {strides = array<i32>} : memref<8x128xi32, #tpu.memory_space<vmem>>, vector<16xi32>,
        %add3A_331 = arith.addi %add3A_14, %add3A_34 : i32
        %mul3A_332 = arith.constant 128 : i32
        %mul3A_333 = arith.muli %add3A_331, %mul3A_332 : i32
        %add3A_334 = arith.constant 96 : i32
        %add3A_335 = arith.addi %mul3A_333, %add3A_334 : i32
        %add3A_336 = vector.broadcast %add3A_335 : i32 to vector<16xi32>
        %add3A_337 = arith.addi %add3A_336, %iota3A : vector<16xi32>
        %jit3A_338 = arith.constant 26 : i32
        %eq3A_339 = arith.constant 0 : i32
        %eq3A_340 = arith.cmpi eq, %jit3A_338, %eq3A_339 : i32
        %jit3A_341 = arith.constant 1 : i32
        %select_n3A_342 = arith.select %eq3A_340, %jit3A_341, %jit3A_338 : i32
        %rem3A_343 = vector.broadcast %select_n3A_342 : i32 to vector<16xi32>
        %rem3A_344 = arith.remsi %add3A_337, %rem3A_343 : vector<16xi32>
        %ne3A_345 = arith.constant 0 : i32
        %ne3A_346 = vector.broadcast %ne3A_345 : i32 to vector<16xi32>
        %ne3A_347 = arith.cmpi ne, %rem3A_344, %ne3A_346 : vector<16xi32>
        %lt3A_348 = arith.constant 0 : i32
        %lt3A_349 = vector.broadcast %lt3A_348 : i32 to vector<16xi32>
        %lt3A_350 = arith.cmpi slt, %rem3A_344, %lt3A_349 : vector<16xi32>
        %lt3A_351 = arith.constant 0 : i32
        %lt3A_352 = arith.cmpi slt, %select_n3A_342, %lt3A_351 : i32
        %ne3A_353 = vector.broadcast %lt3A_352 : i1 to vector<16xi1>
        %ne3A_354 = vector.broadcast %ne3A_353 : vector<16xi1> to vector<16xi1>
        %ne3A_355 = arith.xori %lt3A_350, %ne3A_354 : vector<16xi1>
        %and3A_356 = arith.andi %ne3A_355, %ne3A_347 : vector<16xi1>
        %add3A_357 = vector.broadcast %select_n3A_342 : i32 to vector<16xi32>
        %add3A_358 = arith.addi %rem3A_344, %add3A_357 : vector<16xi32>
        %select_n3A_359 = arith.select %and3A_356, %add3A_358, %rem3A_344 : vector<16xi1>, vector<16xi32>
        %mul3A_360 = arith.constant 100000 : i32
        %mul3A_361 = vector.broadcast %mul3A_360 : i32 to vector<16xi32>
        %mul3A_362 = arith.muli %select_n3A_359, %mul3A_361 : vector<16xi32>
        %get3A_363 = arith.index_cast %add3A_34 : i32 to index
        %get3A_364 = arith.constant 96 : index
        %get3A_365 = tpu.vector_load %arg7[%get3A_363, %get3A_364] {strides = array<i32>} : memref<8x128xi32, #tpu.memory_space<vmem>>, vector<16xi32>,
        %add3A_366 = arith.addi %mul3A_362, %get3A_365 : vector<16xi32>
        %swap3A_367 = arith.index_cast %add3A_34 : i32 to index
        %swap3A_368 = arith.constant 96 : index
        %swap3A_369 = tpu.vector_load %arg8[%swap3A_367, %swap3A_368] {strides = array<i32>} : memref<8x128xi32, #tpu.memory_space<vmem>>, vector<16xi32>,
        tpu.vector_store %arg8[%swap3A_367, %swap3A_368], %add3A_366 {strides = array<i32>} : memref<8x128xi32, #tpu.memory_space<vmem>>, vector<16xi32>,
        %shift_right_logical3A_370 = arith.constant 4 : i32
        %shift_right_logical3A_371 = vector.broadcast %shift_right_logical3A_370 : i32 to vector<16xi32>
        %shift_right_logical3A_372 = arith.shrui %add3A_366, %shift_right_logical3A_371 : vector<16xi32>
        %swap3A_373 = arith.index_cast %add3A_34 : i32 to index
        %swap3A_374 = arith.constant 96 : index
        %swap3A_375 = tpu.vector_load %arg9[%swap3A_373, %swap3A_374] {strides = array<i32>} : memref<8x128xi32, #tpu.memory_space<vmem>>, vector<16xi32>,
        tpu.vector_store %arg9[%swap3A_373, %swap3A_374], %shift_right_logical3A_372 {strides = array<i32>} : memref<8x128xi32, #tpu.memory_space<vmem>>, vector<16xi32>,
        %and3A_376 = arith.constant 15 : i32
        %and3A_377 = vector.broadcast %and3A_376 : i32 to vector<16xi32>
        %and3A_378 = arith.andi %add3A_366, %and3A_377 : vector<16xi32>
        %swap3A_379 = arith.index_cast %add3A_34 : i32 to index
        %swap3A_380 = arith.constant 96 : index
        %swap3A_381 = tpu.vector_load %arg10[%swap3A_379, %swap3A_380] {strides = array<i32>} : memref<8x128xi32, #tpu.memory_space<vmem>>, vector<16xi32>,
        tpu.vector_store %arg10[%swap3A_379, %swap3A_380], %and3A_378 {strides = array<i32>} : memref<8x128xi32, #tpu.memory_space<vmem>>, vector<16xi32>,
        %add3A_382 = arith.addi %add3A_14, %add3A_34 : i32
        %mul3A_383 = arith.constant 128 : i32
        %mul3A_384 = arith.muli %add3A_382, %mul3A_383 : i32
        %add3A_385 = arith.constant 112 : i32
        %add3A_386 = arith.addi %mul3A_384, %add3A_385 : i32
        %add3A_387 = vector.broadcast %add3A_386 : i32 to vector<16xi32>
        %add3A_388 = arith.addi %add3A_387, %iota3A : vector<16xi32>
        %jit3A_389 = arith.constant 26 : i32
        %eq3A_390 = arith.constant 0 : i32
        %eq3A_391 = arith.cmpi eq, %jit3A_389, %eq3A_390 : i32
        %jit3A_392 = arith.constant 1 : i32
        %select_n3A_393 = arith.select %eq3A_391, %jit3A_392, %jit3A_389 : i32
        %rem3A_394 = vector.broadcast %select_n3A_393 : i32 to vector<16xi32>
        %rem3A_395 = arith.remsi %add3A_388, %rem3A_394 : vector<16xi32>
        %ne3A_396 = arith.constant 0 : i32
        %ne3A_397 = vector.broadcast %ne3A_396 : i32 to vector<16xi32>
        %ne3A_398 = arith.cmpi ne, %rem3A_395, %ne3A_397 : vector<16xi32>
        %lt3A_399 = arith.constant 0 : i32
        %lt3A_400 = vector.broadcast %lt3A_399 : i32 to vector<16xi32>
        %lt3A_401 = arith.cmpi slt, %rem3A_395, %lt3A_400 : vector<16xi32>
        %lt3A_402 = arith.constant 0 : i32
        %lt3A_403 = arith.cmpi slt, %select_n3A_393, %lt3A_402 : i32
        %ne3A_404 = vector.broadcast %lt3A_403 : i1 to vector<16xi1>
        %ne3A_405 = vector.broadcast %ne3A_404 : vector<16xi1> to vector<16xi1>
        %ne3A_406 = arith.xori %lt3A_401, %ne3A_405 : vector<16xi1>
        %and3A_407 = arith.andi %ne3A_406, %ne3A_398 : vector<16xi1>
        %add3A_408 = vector.broadcast %select_n3A_393 : i32 to vector<16xi32>
        %add3A_409 = arith.addi %rem3A_395, %add3A_408 : vector<16xi32>
        %select_n3A_410 = arith.select %and3A_407, %add3A_409, %rem3A_395 : vector<16xi1>, vector<16xi32>
        %mul3A_411 = arith.constant 100000 : i32
        %mul3A_412 = vector.broadcast %mul3A_411 : i32 to vector<16xi32>
        %mul3A_413 = arith.muli %select_n3A_410, %mul3A_412 : vector<16xi32>
        %get3A_414 = arith.index_cast %add3A_34 : i32 to index
        %get3A_415 = arith.constant 112 : index
        %get3A_416 = tpu.vector_load %arg7[%get3A_414, %get3A_415] {strides = array<i32>} : memref<8x128xi32, #tpu.memory_space<vmem>>, vector<16xi32>,
        %add3A_417 = arith.addi %mul3A_413, %get3A_416 : vector<16xi32>
        %swap3A_418 = arith.index_cast %add3A_34 : i32 to index
        %swap3A_419 = arith.constant 112 : index
        %swap3A_420 = tpu.vector_load %arg8[%swap3A_418, %swap3A_419] {strides = array<i32>} : memref<8x128xi32, #tpu.memory_space<vmem>>, vector<16xi32>,
        tpu.vector_store %arg8[%swap3A_418, %swap3A_419], %add3A_417 {strides = array<i32>} : memref<8x128xi32, #tpu.memory_space<vmem>>, vector<16xi32>,
        %shift_right_logical3A_421 = arith.constant 4 : i32
        %shift_right_logical3A_422 = vector.broadcast %shift_right_logical3A_421 : i32 to vector<16xi32>
        %shift_right_logical3A_423 = arith.shrui %add3A_417, %shift_right_logical3A_422 : vector<16xi32>
        %swap3A_424 = arith.index_cast %add3A_34 : i32 to index
        %swap3A_425 = arith.constant 112 : index
        %swap3A_426 = tpu.vector_load %arg9[%swap3A_424, %swap3A_425] {strides = array<i32>} : memref<8x128xi32, #tpu.memory_space<vmem>>, vector<16xi32>,
        tpu.vector_store %arg9[%swap3A_424, %swap3A_425], %shift_right_logical3A_423 {strides = array<i32>} : memref<8x128xi32, #tpu.memory_space<vmem>>, vector<16xi32>,
        %and3A_427 = arith.constant 15 : i32
        %and3A_428 = vector.broadcast %and3A_427 : i32 to vector<16xi32>
        %and3A_429 = arith.andi %add3A_417, %and3A_428 : vector<16xi32>
        %swap3A_430 = arith.index_cast %add3A_34 : i32 to index
        %swap3A_431 = arith.constant 112 : index
        %swap3A_432 = tpu.vector_load %arg10[%swap3A_430, %swap3A_431] {strides = array<i32>} : memref<8x128xi32, #tpu.memory_space<vmem>>, vector<16xi32>,
        tpu.vector_store %arg10[%swap3A_430, %swap3A_431], %and3A_429 {strides = array<i32>} : memref<8x128xi32, #tpu.memory_space<vmem>>, vector<16xi32>,
      }
      %scan3A_19 = arith.constant 8 : i32
      %scan3A_20 = arith.constant 0 : i32
      %scan3A_21 = arith.constant 8 : i32
      %scan3A_22 = arith.addi %scan3A_20, %scan3A_21 : i32
      %scan3A_23 = arith.constant 1 : i32
      scf.for %scan3A_30 = %scan3A_20 to %scan3A_22 step %scan3A_23  : i32 {
        %mul3A_31 = arith.constant 1 : i32
        %mul3A_32 = arith.muli %scan3A_30, %mul3A_31 : i32
        %add3A_33 = arith.constant 0 : i32
        %add3A_34 = arith.addi %add3A_33, %mul3A_32 : i32
        %dma_start3A = arith.constant 0 : i32
        %dma_start3A_35 = arith.constant 0 : i32
        %dma_start3A_36 = tpu.memref_slice %arg11[%add3A_34, %dma_start3A, %dma_start3A_35] : memref<8x128x16xf32, #tpu.memory_space<vmem>> -> memref<1x128x16xf32, #tpu.memory_space<vmem>>
        %dma_start3A_37 = tpu.memref_squeeze %dma_start3A_36 : memref<1x128x16xf32, #tpu.memory_space<vmem>> -> memref<128x16xf32, #tpu.memory_space<vmem>>
        %dma_start3A_38 = arith.constant 0 : i32
        %dma_start3A_39 = tpu.memref_slice %arg8[%add3A_34, %dma_start3A_38] : memref<8x128xi32, #tpu.memory_space<vmem>> -> memref<1x128xi32, #tpu.memory_space<vmem>>
        %dma_start3A_40 = tpu.memref_squeeze %dma_start3A_39 : memref<1x128xi32, #tpu.memory_space<vmem>> -> memref<128xi32, #tpu.memory_space<vmem>>
        %dma_start3A_41 = arith.constant 0 : i32
        %dma_start3A_42 = arith.constant 0 : i32
        %dma_start3A_43 = tpu.memref_slice %arg3[%dma_start3A_41, %dma_start3A_42] : memref<2600000x16xf32, #tpu.memory_space<hbm>> -> memref<2600000x16xf32, #tpu.memory_space<hbm>>
        tpu.enqueue_indirect_dma source(%dma_start3A_43 : memref<2600000x16xf32, #tpu.memory_space<hbm>>) target(%dma_start3A_37 : memref<128x16xf32, #tpu.memory_space<vmem>>) offsets(%dma_start3A_40 : memref<128xi32, #tpu.memory_space<vmem>>) semaphore(%arg14 : memref<!tpu.dma_semaphore, #tpu.memory_space<semaphore_mem>>)
        %dma_start3A_44 = arith.constant 0 : i32
        %dma_start3A_45 = arith.constant 0 : i32
        %dma_start3A_46 = tpu.memref_slice %arg12[%add3A_34, %dma_start3A_44, %dma_start3A_45] : memref<8x128x16xf32, #tpu.memory_space<vmem>> -> memref<1x128x16xf32, #tpu.memory_space<vmem>>
        %dma_start3A_47 = tpu.memref_squeeze %dma_start3A_46 : memref<1x128x16xf32, #tpu.memory_space<vmem>> -> memref<128x16xf32, #tpu.memory_space<vmem>>
        %dma_start3A_48 = arith.constant 0 : i32
        %dma_start3A_49 = tpu.memref_slice %arg9[%add3A_34, %dma_start3A_48] : memref<8x128xi32, #tpu.memory_space<vmem>> -> memref<1x128xi32, #tpu.memory_space<vmem>>
        %dma_start3A_50 = tpu.memref_squeeze %dma_start3A_49 : memref<1x128xi32, #tpu.memory_space<vmem>> -> memref<128xi32, #tpu.memory_space<vmem>>
        %dma_start3A_51 = arith.constant 0 : i32
        %dma_start3A_52 = arith.constant 0 : i32
        %dma_start3A_53 = tpu.memref_slice %arg4[%dma_start3A_51, %dma_start3A_52] : memref<162500x16xf32, #tpu.memory_space<hbm>> -> memref<162500x16xf32, #tpu.memory_space<hbm>>
        tpu.enqueue_indirect_dma source(%dma_start3A_53 : memref<162500x16xf32, #tpu.memory_space<hbm>>) target(%dma_start3A_47 : memref<128x16xf32, #tpu.memory_space<vmem>>) offsets(%dma_start3A_50 : memref<128xi32, #tpu.memory_space<vmem>>) semaphore(%arg14 : memref<!tpu.dma_semaphore, #tpu.memory_space<semaphore_mem>>)
        %dma_wait3A = arith.constant 0 : i32
        %dma_wait3A_54 = arith.constant 0 : i32
        %dma_wait3A_55 = tpu.memref_slice %arg11[%add3A_34, %dma_wait3A, %dma_wait3A_54] : memref<8x128x16xf32, #tpu.memory_space<vmem>> -> memref<1x128x16xf32, #tpu.memory_space<vmem>>
        %dma_wait3A_56 = tpu.memref_squeeze %dma_wait3A_55 : memref<1x128x16xf32, #tpu.memory_space<vmem>> -> memref<128x16xf32, #tpu.memory_space<vmem>>
        %dma_wait3A_57 = arith.constant 0 : i32
        %dma_wait3A_58 = tpu.memref_slice %arg8[%add3A_34, %dma_wait3A_57] : memref<8x128xi32, #tpu.memory_space<vmem>> -> memref<1x128xi32, #tpu.memory_space<vmem>>
        %dma_wait3A_59 = tpu.memref_squeeze %dma_wait3A_58 : memref<1x128xi32, #tpu.memory_space<vmem>> -> memref<128xi32, #tpu.memory_space<vmem>>
        %dma_wait3A_60 = arith.constant 0 : i32
        %dma_wait3A_61 = arith.constant 0 : i32
        %dma_wait3A_62 = tpu.memref_slice %arg3[%dma_wait3A_60, %dma_wait3A_61] : memref<2600000x16xf32, #tpu.memory_space<hbm>> -> memref<2600000x16xf32, #tpu.memory_space<hbm>>
        tpu.wait_indirect_dma semaphore(%arg14 : memref<!tpu.dma_semaphore, #tpu.memory_space<semaphore_mem>>) src(%dma_wait3A_62 : memref<2600000x16xf32, #tpu.memory_space<hbm>>) dst(%dma_wait3A_56 : memref<128x16xf32, #tpu.memory_space<vmem>>)
        %dma_wait3A_63 = arith.constant 0 : i32
        %dma_wait3A_64 = arith.constant 0 : i32
        %dma_wait3A_65 = tpu.memref_slice %arg12[%add3A_34, %dma_wait3A_63, %dma_wait3A_64] : memref<8x128x16xf32, #tpu.memory_space<vmem>> -> memref<1x128x16xf32, #tpu.memory_space<vmem>>
        %dma_wait3A_66 = tpu.memref_squeeze %dma_wait3A_65 : memref<1x128x16xf32, #tpu.memory_space<vmem>> -> memref<128x16xf32, #tpu.memory_space<vmem>>
        %dma_wait3A_67 = arith.constant 0 : i32
        %dma_wait3A_68 = tpu.memref_slice %arg9[%add3A_34, %dma_wait3A_67] : memref<8x128xi32, #tpu.memory_space<vmem>> -> memref<1x128xi32, #tpu.memory_space<vmem>>
        %dma_wait3A_69 = tpu.memref_squeeze %dma_wait3A_68 : memref<1x128xi32, #tpu.memory_space<vmem>> -> memref<128xi32, #tpu.memory_space<vmem>>
        %dma_wait3A_70 = arith.constant 0 : i32
        %dma_wait3A_71 = arith.constant 0 : i32
        %dma_wait3A_72 = tpu.memref_slice %arg4[%dma_wait3A_70, %dma_wait3A_71] : memref<162500x16xf32, #tpu.memory_space<hbm>> -> memref<162500x16xf32, #tpu.memory_space<hbm>>
        tpu.wait_indirect_dma semaphore(%arg14 : memref<!tpu.dma_semaphore, #tpu.memory_space<semaphore_mem>>) src(%dma_wait3A_72 : memref<162500x16xf32, #tpu.memory_space<hbm>>) dst(%dma_wait3A_66 : memref<128x16xf32, #tpu.memory_space<vmem>>)
      }
      %scan3A_24 = arith.constant 8 : i32
      %scan3A_25 = arith.constant 0 : i32
      %scan3A_26 = arith.constant 8 : i32
      %scan3A_27 = arith.addi %scan3A_25, %scan3A_26 : i32
      %scan3A_28 = arith.constant 1 : i32
      scf.for %scan3A_30 = %scan3A_25 to %scan3A_27 step %scan3A_28  : i32 {
        %mul3A_31 = arith.constant 1 : i32
        %mul3A_32 = arith.muli %scan3A_30, %mul3A_31 : i32
        %add3A_33 = arith.constant 0 : i32
        %add3A_34 = arith.addi %add3A_33, %mul3A_32 : i32
        %broadcast_in_dim3A = vector.broadcast %add3A_34 : i32 to vector<16xi32>
        %add3A_35 = arith.constant 0 : i32
        %add3A_36 = vector.broadcast %add3A_35 : i32 to vector<16xi32>
        %add3A_37 = arith.addi %add3A_36, %iota3A : vector<16xi32>
        %get3A = arith.index_cast %add3A_34 : i32 to index
        %get3A_38 = arith.constant 0 : index
        %get3A_39 = tpu.vector_load %arg10[%get3A, %get3A_38] {strides = array<i32>} : memref<8x128xi32, #tpu.memory_space<vmem>>, vector<16xi32>,
        %gather3A = tpu.vector_load_idx %arg12[%broadcast_in_dim3A, %add3A_37, %get3A_39] : memref<8x128x16xf32, #tpu.memory_space<vmem>>[vector<16xi32>, vector<16xi32>, vector<16xi32>], vector<16xf32>,
        %swap3A = arith.index_cast %add3A_34 : i32 to index
        %swap3A_40 = arith.constant 0 : index
        %swap3A_41 = tpu.vector_load %arg13[%swap3A, %swap3A_40] {strides = array<i32>} : memref<8x128xf32, #tpu.memory_space<vmem>>, vector<16xf32>,
        tpu.vector_store %arg13[%swap3A, %swap3A_40], %gather3A {strides = array<i32>} : memref<8x128xf32, #tpu.memory_space<vmem>>, vector<16xf32>,
        %add3A_42 = arith.constant 16 : i32
        %add3A_43 = vector.broadcast %add3A_42 : i32 to vector<16xi32>
        %add3A_44 = arith.addi %add3A_43, %iota3A : vector<16xi32>
        %get3A_45 = arith.index_cast %add3A_34 : i32 to index
        %get3A_46 = arith.constant 16 : index
        %get3A_47 = tpu.vector_load %arg10[%get3A_45, %get3A_46] {strides = array<i32>} : memref<8x128xi32, #tpu.memory_space<vmem>>, vector<16xi32>,
        %gather3A_48 = tpu.vector_load_idx %arg12[%broadcast_in_dim3A, %add3A_44, %get3A_47] : memref<8x128x16xf32, #tpu.memory_space<vmem>>[vector<16xi32>, vector<16xi32>, vector<16xi32>], vector<16xf32>,
        %swap3A_49 = arith.index_cast %add3A_34 : i32 to index
        %swap3A_50 = arith.constant 16 : index
        %swap3A_51 = tpu.vector_load %arg13[%swap3A_49, %swap3A_50] {strides = array<i32>} : memref<8x128xf32, #tpu.memory_space<vmem>>, vector<16xf32>,
        tpu.vector_store %arg13[%swap3A_49, %swap3A_50], %gather3A_48 {strides = array<i32>} : memref<8x128xf32, #tpu.memory_space<vmem>>, vector<16xf32>,
        %add3A_52 = arith.constant 32 : i32
        %add3A_53 = vector.broadcast %add3A_52 : i32 to vector<16xi32>
        %add3A_54 = arith.addi %add3A_53, %iota3A : vector<16xi32>
        %get3A_55 = arith.index_cast %add3A_34 : i32 to index
        %get3A_56 = arith.constant 32 : index
        %get3A_57 = tpu.vector_load %arg10[%get3A_55, %get3A_56] {strides = array<i32>} : memref<8x128xi32, #tpu.memory_space<vmem>>, vector<16xi32>,
        %gather3A_58 = tpu.vector_load_idx %arg12[%broadcast_in_dim3A, %add3A_54, %get3A_57] : memref<8x128x16xf32, #tpu.memory_space<vmem>>[vector<16xi32>, vector<16xi32>, vector<16xi32>], vector<16xf32>,
        %swap3A_59 = arith.index_cast %add3A_34 : i32 to index
        %swap3A_60 = arith.constant 32 : index
        %swap3A_61 = tpu.vector_load %arg13[%swap3A_59, %swap3A_60] {strides = array<i32>} : memref<8x128xf32, #tpu.memory_space<vmem>>, vector<16xf32>,
        tpu.vector_store %arg13[%swap3A_59, %swap3A_60], %gather3A_58 {strides = array<i32>} : memref<8x128xf32, #tpu.memory_space<vmem>>, vector<16xf32>,
        %add3A_62 = arith.constant 48 : i32
        %add3A_63 = vector.broadcast %add3A_62 : i32 to vector<16xi32>
        %add3A_64 = arith.addi %add3A_63, %iota3A : vector<16xi32>
        %get3A_65 = arith.index_cast %add3A_34 : i32 to index
        %get3A_66 = arith.constant 48 : index
        %get3A_67 = tpu.vector_load %arg10[%get3A_65, %get3A_66] {strides = array<i32>} : memref<8x128xi32, #tpu.memory_space<vmem>>, vector<16xi32>,
        %gather3A_68 = tpu.vector_load_idx %arg12[%broadcast_in_dim3A, %add3A_64, %get3A_67] : memref<8x128x16xf32, #tpu.memory_space<vmem>>[vector<16xi32>, vector<16xi32>, vector<16xi32>], vector<16xf32>,
        %swap3A_69 = arith.index_cast %add3A_34 : i32 to index
        %swap3A_70 = arith.constant 48 : index
        %swap3A_71 = tpu.vector_load %arg13[%swap3A_69, %swap3A_70] {strides = array<i32>} : memref<8x128xf32, #tpu.memory_space<vmem>>, vector<16xf32>,
        tpu.vector_store %arg13[%swap3A_69, %swap3A_70], %gather3A_68 {strides = array<i32>} : memref<8x128xf32, #tpu.memory_space<vmem>>, vector<16xf32>,
        %add3A_72 = arith.constant 64 : i32
        %add3A_73 = vector.broadcast %add3A_72 : i32 to vector<16xi32>
        %add3A_74 = arith.addi %add3A_73, %iota3A : vector<16xi32>
        %get3A_75 = arith.index_cast %add3A_34 : i32 to index
        %get3A_76 = arith.constant 64 : index
        %get3A_77 = tpu.vector_load %arg10[%get3A_75, %get3A_76] {strides = array<i32>} : memref<8x128xi32, #tpu.memory_space<vmem>>, vector<16xi32>,
        %gather3A_78 = tpu.vector_load_idx %arg12[%broadcast_in_dim3A, %add3A_74, %get3A_77] : memref<8x128x16xf32, #tpu.memory_space<vmem>>[vector<16xi32>, vector<16xi32>, vector<16xi32>], vector<16xf32>,
        %swap3A_79 = arith.index_cast %add3A_34 : i32 to index
        %swap3A_80 = arith.constant 64 : index
        %swap3A_81 = tpu.vector_load %arg13[%swap3A_79, %swap3A_80] {strides = array<i32>} : memref<8x128xf32, #tpu.memory_space<vmem>>, vector<16xf32>,
        tpu.vector_store %arg13[%swap3A_79, %swap3A_80], %gather3A_78 {strides = array<i32>} : memref<8x128xf32, #tpu.memory_space<vmem>>, vector<16xf32>,
        %add3A_82 = arith.constant 80 : i32
        %add3A_83 = vector.broadcast %add3A_82 : i32 to vector<16xi32>
        %add3A_84 = arith.addi %add3A_83, %iota3A : vector<16xi32>
        %get3A_85 = arith.index_cast %add3A_34 : i32 to index
        %get3A_86 = arith.constant 80 : index
        %get3A_87 = tpu.vector_load %arg10[%get3A_85, %get3A_86] {strides = array<i32>} : memref<8x128xi32, #tpu.memory_space<vmem>>, vector<16xi32>,
        %gather3A_88 = tpu.vector_load_idx %arg12[%broadcast_in_dim3A, %add3A_84, %get3A_87] : memref<8x128x16xf32, #tpu.memory_space<vmem>>[vector<16xi32>, vector<16xi32>, vector<16xi32>], vector<16xf32>,
        %swap3A_89 = arith.index_cast %add3A_34 : i32 to index
        %swap3A_90 = arith.constant 80 : index
        %swap3A_91 = tpu.vector_load %arg13[%swap3A_89, %swap3A_90] {strides = array<i32>} : memref<8x128xf32, #tpu.memory_space<vmem>>, vector<16xf32>,
        tpu.vector_store %arg13[%swap3A_89, %swap3A_90], %gather3A_88 {strides = array<i32>} : memref<8x128xf32, #tpu.memory_space<vmem>>, vector<16xf32>,
        %add3A_92 = arith.constant 96 : i32
        %add3A_93 = vector.broadcast %add3A_92 : i32 to vector<16xi32>
        %add3A_94 = arith.addi %add3A_93, %iota3A : vector<16xi32>
        %get3A_95 = arith.index_cast %add3A_34 : i32 to index
        %get3A_96 = arith.constant 96 : index
        %get3A_97 = tpu.vector_load %arg10[%get3A_95, %get3A_96] {strides = array<i32>} : memref<8x128xi32, #tpu.memory_space<vmem>>, vector<16xi32>,
        %gather3A_98 = tpu.vector_load_idx %arg12[%broadcast_in_dim3A, %add3A_94, %get3A_97] : memref<8x128x16xf32, #tpu.memory_space<vmem>>[vector<16xi32>, vector<16xi32>, vector<16xi32>], vector<16xf32>,
        %swap3A_99 = arith.index_cast %add3A_34 : i32 to index
        %swap3A_100 = arith.constant 96 : index
        %swap3A_101 = tpu.vector_load %arg13[%swap3A_99, %swap3A_100] {strides = array<i32>} : memref<8x128xf32, #tpu.memory_space<vmem>>, vector<16xf32>,
        tpu.vector_store %arg13[%swap3A_99, %swap3A_100], %gather3A_98 {strides = array<i32>} : memref<8x128xf32, #tpu.memory_space<vmem>>, vector<16xf32>,
        %add3A_102 = arith.constant 112 : i32
        %add3A_103 = vector.broadcast %add3A_102 : i32 to vector<16xi32>
        %add3A_104 = arith.addi %add3A_103, %iota3A : vector<16xi32>
        %get3A_105 = arith.index_cast %add3A_34 : i32 to index
        %get3A_106 = arith.constant 112 : index
        %get3A_107 = tpu.vector_load %arg10[%get3A_105, %get3A_106] {strides = array<i32>} : memref<8x128xi32, #tpu.memory_space<vmem>>, vector<16xi32>,
        %gather3A_108 = tpu.vector_load_idx %arg12[%broadcast_in_dim3A, %add3A_104, %get3A_107] : memref<8x128x16xf32, #tpu.memory_space<vmem>>[vector<16xi32>, vector<16xi32>, vector<16xi32>], vector<16xf32>,
        %swap3A_109 = arith.index_cast %add3A_34 : i32 to index
        %swap3A_110 = arith.constant 112 : index
        %swap3A_111 = tpu.vector_load %arg13[%swap3A_109, %swap3A_110] {strides = array<i32>} : memref<8x128xf32, #tpu.memory_space<vmem>>, vector<16xf32>,
        tpu.vector_store %arg13[%swap3A_109, %swap3A_110], %gather3A_108 {strides = array<i32>} : memref<8x128xf32, #tpu.memory_space<vmem>>, vector<16xf32>,
      }
      %scan3A_29 = arith.constant 8 : i32
      "tpu.region"() ({
        %run_scoped3A = tpu.sem_alloc : memref<!tpu.dma_semaphore, #tpu.memory_space<semaphore_mem>>
        %dma_start3A = arith.constant 0 : i32
        %dma_start3A_30 = arith.constant 0 : i32
        %dma_start3A_31 = tpu.memref_slice %arg5[%add3A_14, %dma_start3A, %dma_start3A_30] : memref<3328x128x16xf32, #tpu.memory_space<hbm>> -> memref<8x128x16xf32, #tpu.memory_space<hbm>>
        %dma_start3A_32 = arith.constant 0 : i32
        %dma_start3A_33 = arith.constant 0 : i32
        %dma_start3A_34 = tpu.memref_slice %arg5[%add3A_14, %dma_start3A_32, %dma_start3A_33] : memref<3328x128x16xf32, #tpu.memory_space<hbm>> -> memref<8x128x16xf32, #tpu.memory_space<hbm>>
        tpu.enqueue_dma source(%arg11 : memref<8x128x16xf32, #tpu.memory_space<vmem>>) target(%dma_start3A_34 : memref<8x128x16xf32, #tpu.memory_space<hbm>>) target_semaphore(%run_scoped3A : memref<!tpu.dma_semaphore, #tpu.memory_space<semaphore_mem>>)
        %dma_wait3A = arith.constant 0 : i32
        %dma_wait3A_35 = arith.constant 0 : i32
        %dma_wait3A_36 = tpu.memref_slice %arg5[%add3A_14, %dma_wait3A, %dma_wait3A_35] : memref<3328x128x16xf32, #tpu.memory_space<hbm>> -> memref<8x128x16xf32, #tpu.memory_space<hbm>>
        %dma_wait3A_37 = arith.constant 0 : i32
        %dma_wait3A_38 = arith.constant 0 : i32
        %dma_wait3A_39 = tpu.memref_slice %arg5[%add3A_14, %dma_wait3A_37, %dma_wait3A_38] : memref<3328x128x16xf32, #tpu.memory_space<hbm>> -> memref<8x128x16xf32, #tpu.memory_space<hbm>>
        tpu.wait_dma2 semaphore(%run_scoped3A : memref<!tpu.dma_semaphore, #tpu.memory_space<semaphore_mem>>) src(%arg11 : memref<8x128x16xf32, #tpu.memory_space<vmem>>) dst(%dma_wait3A_39 : memref<8x128x16xf32, #tpu.memory_space<hbm>>)
        tpu.yield
      }) : () -> ()
      "tpu.region"() ({
        %run_scoped3A = tpu.sem_alloc : memref<!tpu.dma_semaphore, #tpu.memory_space<semaphore_mem>>
        %dma_start3A = arith.constant 0 : i32
        %dma_start3A_30 = tpu.memref_slice %arg6[%add3A_14, %dma_start3A] : memref<3328x128xf32, #tpu.memory_space<hbm>> -> memref<8x128xf32, #tpu.memory_space<hbm>>
        %dma_start3A_31 = arith.constant 0 : i32
        %dma_start3A_32 = tpu.memref_slice %arg6[%add3A_14, %dma_start3A_31] : memref<3328x128xf32, #tpu.memory_space<hbm>> -> memref<8x128xf32, #tpu.memory_space<hbm>>
        tpu.enqueue_dma source(%arg13 : memref<8x128xf32, #tpu.memory_space<vmem>>) target(%dma_start3A_32 : memref<8x128xf32, #tpu.memory_space<hbm>>) target_semaphore(%run_scoped3A : memref<!tpu.dma_semaphore, #tpu.memory_space<semaphore_mem>>)
        %dma_wait3A = arith.constant 0 : i32
        %dma_wait3A_33 = tpu.memref_slice %arg6[%add3A_14, %dma_wait3A] : memref<3328x128xf32, #tpu.memory_space<hbm>> -> memref<8x128xf32, #tpu.memory_space<hbm>>
        %dma_wait3A_34 = arith.constant 0 : i32
        %dma_wait3A_35 = tpu.memref_slice %arg6[%add3A_14, %dma_wait3A_34] : memref<3328x128xf32, #tpu.memory_space<hbm>> -> memref<8x128xf32, #tpu.memory_space<hbm>>
        tpu.wait_dma2 semaphore(%run_scoped3A : memref<!tpu.dma_semaphore, #tpu.memory_space<semaphore_mem>>) src(%arg13 : memref<8x128xf32, #tpu.memory_space<vmem>>) dst(%dma_wait3A_35 : memref<8x128xf32, #tpu.memory_space<hbm>>)
        tpu.yield
      }) : () -> ()
    }
    %scan3A_4 = arith.constant 13 : i32
    return
  }
}

module attributes {stable_mosaic.version = 14 : i64} {
  func.func @_tc_body(%arg0: i32, %arg1: memref<1024x26xf32, #tpu.memory_space<vmem>>, %arg2: memref<1024x26xf32, #tpu.memory_space<vmem>>, %arg3: memref<1024x416xf32, #tpu.memory_space<vmem>>, %arg4: memref<416x32xf32, #tpu.memory_space<vmem>>, %arg5: memref<1x32xf32, #tpu.memory_space<vmem>>, %arg6: memref<32x32xf32, #tpu.memory_space<vmem>>, %arg7: memref<1x32xf32, #tpu.memory_space<vmem>>, %arg8: memref<1x1xf32, #tpu.memory_space<vmem>>, %arg9: memref<1x1x1024xf32, #tpu.memory_space<vmem>>) attributes {dimension_semantics = [#tpu.dimension_semantics<arbitrary>], iteration_bounds = array<i64: 16>, scalar_prefetch = 0 : i64, scratch_operands = 0 : i64, tpu.core_type = #tpu.core_type<tc>, window_params = [{transform_indices = @transform_0, window_bounds = array<i64: 1024, 26>}, {transform_indices = @transform_1, window_bounds = array<i64: 1024, 26>}, {transform_indices = @transform_2, window_bounds = array<i64: 1024, 416>}, {pipeline_mode = #tpu.pipeline_mode<synchronous>, transform_indices = @transform_3, window_bounds = array<i64: 416, 32>}, {pipeline_mode = #tpu.pipeline_mode<synchronous>, transform_indices = @transform_4, window_bounds = array<i64: 1, 32>}, {pipeline_mode = #tpu.pipeline_mode<synchronous>, transform_indices = @transform_5, window_bounds = array<i64: 32, 32>}, {pipeline_mode = #tpu.pipeline_mode<synchronous>, transform_indices = @transform_6, window_bounds = array<i64: 1, 32>}, {pipeline_mode = #tpu.pipeline_mode<synchronous>, transform_indices = @transform_7, window_bounds = array<i64: 1, 1>}, {transform_indices = @transform_8, window_bounds = array<i64: 1, 1, 1024>}]} {
    %get3A = arith.constant 0 : index
    %get3A_0 = arith.constant 0 : index
    %get3A_1 = vector.load %arg1[%get3A, %get3A_0] : memref<1024x26xf32, #tpu.memory_space<vmem>>, vector<1024x26xf32>
    %get3A_2 = arith.constant 0 : index
    %get3A_3 = arith.constant 0 : index
    %get3A_4 = vector.load %arg2[%get3A_2, %get3A_3] : memref<1024x26xf32, #tpu.memory_space<vmem>>, vector<1024x26xf32>
    %get3A_5 = arith.constant 0 : index
    %get3A_6 = arith.constant 0 : index
    %get3A_7 = vector.load %arg3[%get3A_5, %get3A_6] : memref<1024x416xf32, #tpu.memory_space<vmem>>, vector<1024x416xf32>
    %iota3A = tpu.iota {dimensions = array<i32: 0>} : vector<26x416xi32>
    %iota3A_8 = tpu.iota {dimensions = array<i32: 1>} : vector<26x416xi32>
    %shift_right_logical3A = arith.constant 4 : i32
    %shift_right_logical3A_9 = vector.broadcast %shift_right_logical3A : i32 to vector<26x416xi32>
    %shift_right_logical3A_10 = arith.shrui %iota3A_8, %shift_right_logical3A_9 : vector<26x416xi32>
    %eq3A = arith.cmpi eq, %shift_right_logical3A_10, %iota3A : vector<26x416xi32>
    %convert_element_type3A = arith.extui %eq3A : vector<26x416xi1> to vector<26x416xi32>
    %convert_element_type3A_11 = arith.sitofp %convert_element_type3A : vector<26x416xi32> to vector<26x416xf32>
    %dot_general3A = arith.constant dense<0.000000e+00> : vector<1024x416xf32>
    %dot_general3A_12 = tpu.matmul %get3A_1, %convert_element_type3A_11, %dot_general3A {dimension_numbers = #tpu.dot_dimension_numbers<[1], [0], [0], [1], [0, 0, 1, 1], [], []>, precision = #tpu.contract_precision<fp32>, transpose_lhs_hint = false} : vector<1024x26xf32>, vector<26x416xf32>, vector<1024x416xf32> -> vector<1024x416xf32>
    %mul3A = arith.mulf %get3A_7, %dot_general3A_12 : vector<1024x416xf32>
    %iota3A_13 = tpu.iota {dimensions = array<i32: 0>} : vector<416x16xi32>
    %iota3A_14 = tpu.iota {dimensions = array<i32: 1>} : vector<416x16xi32>
    %and3A = arith.constant 15 : i32
    %and3A_15 = vector.broadcast %and3A : i32 to vector<416x16xi32>
    %and3A_16 = arith.andi %iota3A_13, %and3A_15 : vector<416x16xi32>
    %eq3A_17 = arith.cmpi eq, %and3A_16, %iota3A_14 : vector<416x16xi32>
    %convert_element_type3A_18 = arith.extui %eq3A_17 : vector<416x16xi1> to vector<416x16xi32>
    %convert_element_type3A_19 = arith.sitofp %convert_element_type3A_18 : vector<416x16xi32> to vector<416x16xf32>
    %dot_general3A_20 = arith.constant dense<0.000000e+00> : vector<1024x16xf32>
    %dot_general3A_21 = tpu.matmul %mul3A, %convert_element_type3A_19, %dot_general3A_20 {dimension_numbers = #tpu.dot_dimension_numbers<[1], [0], [0], [1], [0, 0, 1, 1], [], []>, precision = #tpu.contract_precision<fp32>, transpose_lhs_hint = false} : vector<1024x416xf32>, vector<416x16xf32>, vector<1024x16xf32> -> vector<1024x16xf32>
    %mul3A_22 = arith.mulf %mul3A, %mul3A : vector<1024x416xf32>
    %dot_general3A_23 = arith.constant dense<0.000000e+00> : vector<1024x16xf32>
    %dot_general3A_24 = tpu.matmul %mul3A_22, %convert_element_type3A_19, %dot_general3A_23 {dimension_numbers = #tpu.dot_dimension_numbers<[1], [0], [0], [1], [0, 0, 1, 1], [], []>, precision = #tpu.contract_precision<fp32>, transpose_lhs_hint = false} : vector<1024x416xf32>, vector<416x16xf32>, vector<1024x16xf32> -> vector<1024x16xf32>
    %mul3A_25 = arith.mulf %dot_general3A_21, %dot_general3A_21 : vector<1024x16xf32>
    %sub3A = arith.subf %mul3A_25, %dot_general3A_24 : vector<1024x16xf32>
    %reduce_sum3A = arith.constant dense<0.000000e+00> : vector<1024xf32>
    %reduce_sum3A_26 = vector.multi_reduction <add>, %sub3A, %reduce_sum3A [1] : vector<1024x16xf32> to vector<1024xf32>
    %mul3A_27 = arith.constant 5.000000e-01 : f32
    %mul3A_28 = vector.broadcast %mul3A_27 : f32 to vector<1024xf32>
    %mul3A_29 = arith.mulf %mul3A_28, %reduce_sum3A_26 : vector<1024xf32>
    %get3A_30 = arith.constant 0 : index
    %get3A_31 = arith.constant 0 : index
    %get3A_32 = vector.load %arg4[%get3A_30, %get3A_31] : memref<416x32xf32, #tpu.memory_space<vmem>>, vector<416x32xf32>
    %dot_general3A_33 = arith.constant dense<0.000000e+00> : vector<1024x32xf32>
    %dot_general3A_34 = tpu.matmul %mul3A, %get3A_32, %dot_general3A_33 {dimension_numbers = #tpu.dot_dimension_numbers<[1], [0], [0], [1], [0, 0, 1, 1], [], []>, precision = #tpu.contract_precision<fp32>, transpose_lhs_hint = false} : vector<1024x416xf32>, vector<416x32xf32>, vector<1024x32xf32> -> vector<1024x32xf32>
    %get3A_35 = arith.constant 0 : index
    %get3A_36 = arith.constant 0 : index
    %get3A_37 = vector.load %arg5[%get3A_35, %get3A_36] : memref<1x32xf32, #tpu.memory_space<vmem>>, vector<1x32xf32>
    %add3A = vector.broadcast %get3A_37 : vector<1x32xf32> to vector<1024x32xf32>
    %add3A_38 = arith.addf %dot_general3A_34, %add3A : vector<1024x32xf32>
    %max3A = arith.constant 0.000000e+00 : f32
    %max3A_39 = vector.broadcast %max3A : f32 to vector<1024x32xf32>
    %max3A_40 = arith.maximumf %add3A_38, %max3A_39 : vector<1024x32xf32>
    %get3A_41 = arith.constant 0 : index
    %get3A_42 = arith.constant 0 : index
    %get3A_43 = vector.load %arg6[%get3A_41, %get3A_42] : memref<32x32xf32, #tpu.memory_space<vmem>>, vector<32x32xf32>
    %dot_general3A_44 = arith.constant dense<0.000000e+00> : vector<1024x32xf32>
    %dot_general3A_45 = tpu.matmul %max3A_40, %get3A_43, %dot_general3A_44 {dimension_numbers = #tpu.dot_dimension_numbers<[1], [0], [0], [1], [0, 0, 1, 1], [], []>, precision = #tpu.contract_precision<fp32>, transpose_lhs_hint = false} : vector<1024x32xf32>, vector<32x32xf32>, vector<1024x32xf32> -> vector<1024x32xf32>
    %get3A_46 = arith.constant 0 : index
    %get3A_47 = arith.constant 0 : index
    %get3A_48 = vector.load %arg7[%get3A_46, %get3A_47] : memref<1x32xf32, #tpu.memory_space<vmem>>, vector<1x32xf32>
    %add3A_49 = vector.broadcast %get3A_48 : vector<1x32xf32> to vector<1024x32xf32>
    %add3A_50 = arith.addf %dot_general3A_45, %add3A_49 : vector<1024x32xf32>
    %max3A_51 = arith.constant 0.000000e+00 : f32
    %max3A_52 = vector.broadcast %max3A_51 : f32 to vector<1024x32xf32>
    %max3A_53 = arith.maximumf %add3A_50, %max3A_52 : vector<1024x32xf32>
    %reduce_sum3A_54 = arith.constant dense<0.000000e+00> : vector<1024xf32>
    %reduce_sum3A_55 = vector.multi_reduction <add>, %max3A_53, %reduce_sum3A_54 [1] : vector<1024x32xf32> to vector<1024xf32>
    %mul3A_56 = arith.mulf %get3A_4, %get3A_1 : vector<1024x26xf32>
    %reduce_sum3A_57 = arith.constant dense<0.000000e+00> : vector<1024xf32>
    %reduce_sum3A_58 = vector.multi_reduction <add>, %mul3A_56, %reduce_sum3A_57 [1] : vector<1024x26xf32> to vector<1024xf32>
    %add3A_59 = arith.addf %reduce_sum3A_58, %mul3A_29 : vector<1024xf32>
    %add3A_60 = arith.addf %add3A_59, %reduce_sum3A_55 : vector<1024xf32>
    %get3A_61 = arith.constant 0 : index
    %get3A_62 = arith.constant 0 : index
    %get3A_63 = vector.load %arg8[%get3A_61, %get3A_62] : memref<1x1xf32, #tpu.memory_space<vmem>>, vector<1x1xf32>
    %get3A_64 = vector.extract %get3A_63[0, 0] : f32 from vector<1x1xf32>
    %add3A_65 = vector.broadcast %get3A_64 : f32 to vector<1024xf32>
    %add3A_66 = arith.addf %add3A_60, %add3A_65 : vector<1024xf32>
    %swap3A = arith.constant 0 : index
    %swap3A_67 = arith.constant 0 : index
    %swap3A_68 = arith.constant 0 : index
    %swap3A_69 = vector.load %arg9[%swap3A, %swap3A_67, %swap3A_68] : memref<1x1x1024xf32, #tpu.memory_space<vmem>>, vector<1x1x1024xf32>
    %swap3A_70 = vector.shape_cast %swap3A_69 : vector<1x1x1024xf32> to vector<1024xf32>
    %swap3A_71 = vector.shape_cast %add3A_66 : vector<1024xf32> to vector<1x1x1024xf32>
    tpu.vector_store %arg9[%swap3A, %swap3A_67, %swap3A_68], %swap3A_71 {strides = array<i32>} : memref<1x1x1024xf32, #tpu.memory_space<vmem>>, vector<1x1x1024xf32>,
    return
  }
  func.func @transform_0(%arg0: i32) -> (i32, i32) {
    %c0_i32 = arith.constant 0 : i32
    %c0_i32_0 = arith.constant 0 : i32
    return %arg0, %c0_i32 : i32, i32
  }
  func.func @transform_1(%arg0: i32) -> (i32, i32) {
    %c0_i32 = arith.constant 0 : i32
    %c0_i32_0 = arith.constant 0 : i32
    return %arg0, %c0_i32 : i32, i32
  }
  func.func @transform_2(%arg0: i32) -> (i32, i32) {
    %c0_i32 = arith.constant 0 : i32
    %c0_i32_0 = arith.constant 0 : i32
    return %arg0, %c0_i32 : i32, i32
  }
  func.func @transform_3(%arg0: i32) -> (i32, i32) {
    %c0_i32 = arith.constant 0 : i32
    %c0_i32_0 = arith.constant 0 : i32
    %c0_i32_1 = arith.constant 0 : i32
    return %c0_i32, %c0_i32_0 : i32, i32
  }
  func.func @transform_4(%arg0: i32) -> (i32, i32) {
    %c0_i32 = arith.constant 0 : i32
    %c0_i32_0 = arith.constant 0 : i32
    %c0_i32_1 = arith.constant 0 : i32
    return %c0_i32, %c0_i32_0 : i32, i32
  }
  func.func @transform_5(%arg0: i32) -> (i32, i32) {
    %c0_i32 = arith.constant 0 : i32
    %c0_i32_0 = arith.constant 0 : i32
    %c0_i32_1 = arith.constant 0 : i32
    return %c0_i32, %c0_i32_0 : i32, i32
  }
  func.func @transform_6(%arg0: i32) -> (i32, i32) {
    %c0_i32 = arith.constant 0 : i32
    %c0_i32_0 = arith.constant 0 : i32
    %c0_i32_1 = arith.constant 0 : i32
    return %c0_i32, %c0_i32_0 : i32, i32
  }
  func.func @transform_7(%arg0: i32) -> (i32, i32) {
    %c0_i32 = arith.constant 0 : i32
    %c0_i32_0 = arith.constant 0 : i32
    %c0_i32_1 = arith.constant 0 : i32
    return %c0_i32, %c0_i32_0 : i32, i32
  }
  func.func @transform_8(%arg0: i32) -> (i32, i32, i32) {
    %c0_i32 = arith.constant 0 : i32
    %c0_i32_0 = arith.constant 0 : i32
    %c0_i32_1 = arith.constant 0 : i32
    return %arg0, %c0_i32, %c0_i32_0 : i32, i32, i32
  }
}

</mosaic_0001>

<sc_bundles>
// kernel: kernel.4.cloned.1.call-start
scs
__scs_entry_jumppad:
0x0: {  	(pc) =	sbr.rel $0x88, $3  }
0x1: {  	(tag) =	ssettag $0x0;
	lr =	simm.s32 $0x1  }
0x2: {  	[smem:$0x3F98] =	sst lr;
	_ =	strace $0xD0000000  }
0x3: {  	_ = 	snop  }
0x4: {  	_ = 	snop  }
0x5: {  	_ = 	snop  }
0x6: {  	_ = 	snop  }
0x7: {  	_ = 	snop  }
__scs_overlays_trampoline_lowered:
0x8: {  	[smem:$0x3FA7] =	sst s0  }
0x9: {  	[smem:$0x3FA8] =	sst s1  }
0xa: {  	[smem:$0x3FA9] =	sst s2  }
0xb: {  	[smem:$0x3FAA] =	sst s3  }
0xc: {  	[smem:$0x3FAB] =	sst s4  }
0xd: {  	[smem:$0x3FAC] =	sst s5  }
0xe: {  	[smem:$0x3FAD] =	sst s6  }
0xf: {  	[smem:$0x3FAE] =	sst s7  }
0x10: {  	[smem:$0x3FAF] =	sst s8  }
0x11: {  	[smem:$0x3FB0] =	sst s9;
	s0 =	simm.s32 @!p0 $0x0  }
0x12: {  	s1 =	sld [smem:$0x3F96];
	s0 =	simm.s32 @p0 $0x1  }
0x13: {  	[smem:$0x3FB1] =	sst s0;
	s0 =	simm.s32 @!p1 $0x0  }
0x14: {  	s2 =	sld [smem:$0x3F95];
	s0 =	simm.s32 @p1 $0x1  }
0x15: {  	[smem:$0x3FB2] =	sst s0;
	s0 =	simm.s32 @!p2 $0x0  }
0x16: {  	s3 =	sld [smem:$0x3FDB];
	s0 =	simm.s32 @p2 $0x1  }
0x17: {  	s4 =	simm.s32 $0x1BF5;
	[smem:$0x3FB4] =	sst s0  }
0x18: {  	s0 =	sld [smem:$0x3F97];
	_ =	swait.ge [sflag:s4], $0x0  }
0x19: {  	s7 =	sld [smem:$0x3F98]  }
0x1a: {  	s8 =	sadd.s32 $0xFFFFE003, lr  }
0x1b: {  	s9 =	sadd.s32 $0xFFFFFEF7, lr;
	s5 =	simm.s32 $0xFFFFFFFF;
	p2 =	slt.u32 s8, $0xFFFFF086  }
0x1c: {  	p1 =	slt.u32 s9, $0xF7A;
	s5 =	simm.s32 @!p2 $0x0  }
0x1d: {  	s5 =	simm.s32 @p1 $0x1;
	p0 =	seq.s32 s7, s2  }
0x1e: {  	s7 =	smul.u32 @!p0 $0xF7A, s2;
	p2 =	seq.s32 @!p0 s5, $0x0  }
0x1f: {  	s9 =	smul.u32 $0xF7A, s1;
	s8 =	simm.s32 @!p0 $0x1BF5;
	p2 =	por !p2, p0  }
0x20: {  	[sflag:s8] =	ssyncset.s32 @!p0 $0xFFFFF086;
	s6 =	sadd.s32 @!p0 s3, s7;
	s7 =	simm.s32 @!p0 $0x108  }
0x21: {  	s3 =	sadd.s32 s3, s9;
	s6 =	sadd.s32 @!p0 $0x88, s6;
	s7 =	simm.s32 @p2 $0x1082  }
0x22: {  	[simem:s7], [sflag:s8] =	dma.local @!p0 [hbm:s6], $0xF7A  }
0x23: {  	s9 =	sor.u32 $0xD0000000, s2;
	s6 =	simm.s32 $0x108;
	_ =	swait.ge @!p0 [sflag:s8], $0x0  }
0x24: {  	s3 =	sadd.s32 $0x88, s3;
	s6 =	simm.s32 @!p1 $0x1082;
	[sflag:s4] =	ssyncset.s32 $0xFFFFF086  }
0x25: {  	[simem:s6], [sflag:s4] =	dma.local [hbm:s3], $0xF7A  }
0x26: {  	[smem:$0x3F98] =	sst s1;
	(tag) =	ssettag s2;
	_ =	strace s9  }
0x27: {  	s1 =	sld [smem:$0x3FA8]  }
0x28: {  	s2 =	sld [smem:$0x3FA9]  }
0x29: {  	s4 =	sld [smem:$0x3FAB]  }
0x2a: {  	p0 =	seq.s32 s5, $0x0;
	s5 =	sld [smem:$0x3FAC]  }
0x2b: {  	s6 =	sld [smem:$0x3FAD]  }
0x2c: {  	s7 =	sld [smem:$0x3FAE]  }
0x2d: {  	s3 =	simm.s32 $0x108;
	s8 =	sld [smem:$0x3FAF]  }
0x2e: {  	s3 =	simm.s32 @!p0 $0x1082;
	s9 =	sld [smem:$0x3FB0]  }
0x2f: {  	lr =	sadd.s32 s0, s3;
	s0 =	sld [smem:$0x3FA7]  }
0x30: {  	s3 =	sld [smem:$0x3FAA]  }
0x31: {  	[smem:$0x3FB3] =	sst s10  }
0x32: {  	s10 =	sld [smem:$0x3FB1];
	_ =	sdelay $0x3  }
0x33: {  	p0 =	seq.s32 s10, $0x1;
	s10 =	sld [smem:$0x3FB3];
	_ =	sdelay $0x3  }
0x34: {  	[smem:$0x3FB3] =	sst s10  }
0x35: {  	s10 =	sld [smem:$0x3FB2];
	_ =	sdelay $0x3  }
0x36: {  	p1 =	seq.s32 s10, $0x1;
	s10 =	sld [smem:$0x3FB3];
	_ =	sdelay $0x3  }
0x37: {  	[smem:$0x3FB3] =	sst s10  }
0x38: {  	s10 =	sld [smem:$0x3FB4]  }
0x39: {  	_ = 	snop;
	(pc) =	sbr.ind lr, $3  }
0x3a: {  	_ = 	snop  }
0x3b: {  	_ = 	snop  }
0x3c: {  	p2 =	seq.s32 s10, $0x1;
	s10 =	sld [smem:$0x3FB3]  }
0x3d: {  	_ =	shalt  }
0x3e: {  	_ =	shalt  }
0x3f: {  	_ =	shalt  }
0x40: {  	_ =	shalt  }
0x41: {  	_ =	shalt  }
0x42: {  	_ =	shalt  }
0x43: {  	_ =	shalt  }
0x44: {  	_ =	shalt  }
0x45: {  	_ =	shalt  }
0x46: {  	_ =	shalt  }
0x47: {  	_ =	shalt  }
0x48: {  	_ =	shalt  }
0x49: {  	_ =	shalt  }
0x4a: {  	_ =	shalt  }
0x4b: {  	_ =	shalt  }
0x4c: {  	_ =	shalt  }
0x4d: {  	_ =	shalt  }
0x4e: {  	_ =	shalt  }
0x4f: {  	_ =	shalt  }
0x50: {  	_ =	shalt  }
0x51: {  	_ =	shalt  }
0x52: {  	_ =	shalt  }
0x53: {  	_ =	shalt  }
0x54: {  	_ =	shalt  }
0x55: {  	_ =	shalt  }
0x56: {  	_ =	shalt  }
0x57: {  	_ =	shalt  }
0x58: {  	_ =	shalt  }
0x59: {  	_ =	shalt  }
0x5a: {  	_ =	shalt  }
0x5b: {  	_ =	shalt  }
0x5c: {  	_ =	shalt  }
0x5d: {  	_ =	shalt  }
0x5e: {  	_ =	shalt  }
0x5f: {  	_ =	shalt  }
0x60: {  	_ =	shalt  }
0x61: {  	_ =	shalt  }
0x62: {  	_ =	shalt  }
0x63: {  	_ =	shalt  }
0x64: {  	_ =	shalt  }
0x65: {  	_ =	shalt  }
0x66: {  	_ =	shalt  }
0x67: {  	_ =	shalt  }
0x68: {  	_ =	shalt  }
0x69: {  	_ =	shalt  }
0x6a: {  	_ =	shalt  }
0x6b: {  	_ =	shalt  }
0x6c: {  	_ =	shalt  }
0x6d: {  	_ =	shalt  }
0x6e: {  	_ =	shalt  }
0x6f: {  	_ =	shalt  }
0x70: {  	_ =	shalt  }
0x71: {  	_ =	shalt  }
0x72: {  	_ =	shalt  }
0x73: {  	_ =	shalt  }
0x74: {  	_ =	shalt  }
0x75: {  	_ =	shalt  }
0x76: {  	_ =	shalt  }
0x77: {  	_ =	shalt  }
0x78: {  	_ =	shalt  }
0x79: {  	_ =	shalt  }
0x7a: {  	_ =	shalt  }
0x7b: {  	_ =	shalt  }
0x7c: {  	_ =	shalt  }
0x7d: {  	_ =	shalt  }
0x7e: {  	_ =	shalt  }
0x7f: {  	_ =	shalt  }
0x80: {  	_ =	shalt  }
0x81: {  	_ =	shalt  }
0x82: {  	_ =	shalt  }
0x83: {  	_ =	shalt  }
0x84: {  	_ =	shalt  }
0x85: {  	_ =	shalt  }
0x86: {  	_ =	shalt  }
0x87: {  	_ =	shalt  }
.Lfunc_end0:
.L_simem_size_0:
called_computation_lowered:
.L_overlay_start_0:
0x88: {  	s2 =	sld [smem:$0x3FD9]  }
0x89: {  	s3 =	sld [smem:$0x3FFE];
	_ =	sdelay $0x1  }
0x8a: {  	s1 =	srdreg.scid  }
0x8b: {  	s0 =	sand.u32 $0x1, s1  }
0x8c: {  	s16 =	sshll.u32 s0, $0xA;
	s2 =	sadd.s32 s3, s2  }
0x8d: {  	s2 =	sadd.s32 s2, s16  }
0x8e: {  	[smem:$0x3FBF] =	sst s2  }
0x8f: {  	_ = 	snop  }
0x90: {  	(tm) =	ssettm $0x1  }
0x91: {  	s17 =	sld [smem:$0x3FFB];
	_ =	sdelay $0x3  }
0x92: {  	_ =	strace s17  }
0x93: {  	s2 =	sld [smem:$0x3FFC];
	_ =	sdelay $0x3  }
0x94: {  	_ =	strace s2  }
0x95: {  	s2 =	sld [smem:$0x3FFD];
	_ =	sdelay $0x3  }
0x96: {  	_ =	strace s2  }
0x97: {  	_ =	strace $0x8FFFFFFF  }
0x98: {  	s18 =	sld [smem:$0x3FDB];
	_ =	sdelay $0x1  }
0x99: {  	s19 =	simm.s32 $_scs_section_size  }
0x9a: {  	s4 =	simm.s32 $_size__tile_overlayer_lowered;
	s5 =	simm.s32 $_tile_overlayer_lowered  }
0x9b: {  	s22 =	simm.s32 $0x1BFF;
	s21 =	sshll.u32 s5, $0x1;
	s2 =	sadd.s32 s19, s18  }
0x9c: {  	s6 =	simm.s32 $0x0;
	s20 =	sshll.u32 s4, $0x1;
	s4 =	sadd.s32 s21, s2  }
0x9d: {  	[timem:s6], [sflag:s22] =	dma.local [hbm:s4], s20  }
0x9e: {  	_ =	swait.ge [sflag:s22], s20  }
0x9f: {  	s3 =	ssub.s32 $0x0, s20;
	[sflag:s22] =	ssyncset.done $0x0  }
0xa0: {  	[sflag:s22] =	ssyncadd.s32 s3;
	_ =	sdelay $0x1  }
0xa1: {  	s23 =	simm.s32 $0x1B8B  }
0xa2: {  	_ =	swait.ge [sflag:s23], $0x1  }
0xa3: {  	[sflag:s23] =	ssyncset.done $0x0  }
0xa4: {  	s25 =	simm.s32 $0x1B8E;
	s24 =	sld [smem:$0x3FFE];
	[sflag:s23] =	ssyncadd.s32 $0xFFFFFFFF  }
0xa5: {  	s26 =	simm.s32 $execute0_lowered;
	[smem:$0x3FD2] =	sst s25  }
0xa6: {  	s4 =	sshll.u32 s26, $0x1;
	_ =	strace $0x80000046;
	[dreg:$0x1] =	wrdreg $0xFFFFFFFF  }
0xa7: {  	s28 =	simm.s32 $_size_execute0_lowered;
	s2 =	sadd.s32 s2, s4;
	[dreg:$0x0] =	wrdreg $0x0  }
0xa8: {  	s4 =	sshll.u32 s28, $0x1;
	[dreg:$0x2] =	wrdreg s2  }
0xa9: {  	[dreg:$0x3] =	wrdreg s4  }
0xaa: {  	[dreg:$0x4] =	wrdreg $0xC0  }
0xab: {  	_ =	task [dreg:s6], $0x5FFFF  }
0xac: {  	[dreg:$0x1] =	wrdreg $0xFFFFFFFF  }
0xad: {  	[dreg:$0x0] =	wrdreg $0x60  }
0xae: {  	[dreg:$0x2] =	wrdreg s24  }
0xaf: {  	[dreg:$0x3] =	wrdreg $0x9  }
0xb0: {  	_ =	task.clear_ibuf [dreg:s6], $0x4FFFF;
	_ =	strace $0x90000046  }
0xb1: {  	s29 =	simm.s32 $0x9;
	_ =	strace $0x80000048  }
0xb2: {  	_ =	swait.ge [sflag:s29], $0x1  }
0xb3: {  	[sflag:s29] =	ssyncadd.s32 $0xFFFFFFFF  }
0xb4: {  	_ =	strace $0x90000048  }
0xb5: {  	_ =	sfence  }
0xb6: {  	s30 =	sld [smem:$0x0];
	_ =	sdelay $0x2  }
0xb7: {  	s31 =	sshll.u32 s1, $0xD;
	s1 =	sshrl.u32 s1, $0x2  }
0xb8: {  	s3 =	sand.u32 $0x4000, s31;
	s1 =	sadd.s32 s1, s30  }
0xb9: {  	s0 =	sor.u32 s3, s0;
	s1 =	sshll.u32 s1, $0x11  }
0xba: {  	s0 =	sor.u32 s1, s0  }
0xbb: {  	s0 =	sadd.s32 $0x8F2B, s0  }
0xbc: {  	[sflag:s0] =	ssyncadd.remote.s32 $0x1  }
0xbd: {  	_ =	sfence.sel $0xFFFF  }
0xbe: {  	[dreg:$0x0] =	wrdreg $0xFFFFFFFF;
	(pc) =	sbr.abs _section_cstart, $3  }
0xbf: {  	[dreg:$0x1] =	wrdreg $0xFFFFFFFF  }
0xc0: {  	_ =	task.clear_ibuf [dreg:s6], $0x2FFFF;
	_ =	strace $0x9FFFFFFF  }
0xc1: {  	(tm) =	ssettm $0x7FFFFFFF  }
tec
execute0_lowered:
.L_overlay_start_1:
0x0: {  	(tag) =	ssettag $0x1  }
0x1: {  	s0 =	rddreg [dreg:$0x0];
	s1 =	simm.s32 $0x0;
	s3 =	srdreg.scid  }
0x2: {  	s11 =	stileid.u32;
	s12 =	simm.s32 $0x80;
	s14 =	simm.s32 $0x1000  }
0x3: {  	s16 =	simm.s32 $0x5000;
	s17 =	simm.s32 $0x1;
	s25 =	simm.s32 $0xB80  }
0x4: {  	s26 =	simm.s32 $0x8800;
	s28 =	simm.s32 $0x9000;
	[smem:$0x7FF] =	sst s1  }
0x5: {  	s2 =	sadd.s32 $0x50A00, s0;
	s4 =	sadd.s32 $0x27AD800, s0;
	s3 =	sand.u32 $0x1, s3  }
0x6: {  	v0 =	vlaneseq.u32;
	s5 =	sadd.s32 $0x1400, s0;
	s6 =	sadd.s32 $0x5DA00, s0;
	s8 =	ssub.s32 $0x2, s3  }
0x7: {  	v1 =	vmul.u32 $0x10, v0;
	s7 =	sshll.u32 s3, $0x4;
	s3 =	smul.u32 $0x34000, s3;
	s9 =	sshrl.u32 s8, $0x1  }
0x8: {  	s10 =	sor.u32 s11, s7;
	s11 =	smul.u32 $0x3400, s11;
	s30 =	ssub.s32 s8, s9  }
0x9: {  	_ =	strace $0x80000047;
	s7 =	sadd.s32 $0x12DA00, s0;
	v2 =	vor.u32 $0x100, v1;
	s0 =	smax.u32 s30, $0x1  }
0xa: {  	v3 =	vor.u32 $0x200, v1;
	v4 =	vor.u32 $0x300, v1;
	v5 =	vor.u32 $0x400, v1;
	s8 =	smul.u32 $0x68, s10;
	s31 =	sadd.s32 s11, s3;
	[dreg:$0x2] =	wrdreg s0  }
0xb: {  	v6 =	vor.u32 $0x500, v1;
	v7 =	vor.u32 $0x600, v1;
	v8 =	vor.u32 $0x700, v1;
	s11 =	simm.s32 $0x2;
	s3 =	simm.s32 $0x0;
	[dreg:$0x3] =	wrdreg s31  }
.LBB2_1:
0xc: {  	[dreg:$0x4] =	wrdreg s3  }
0xd: {  	s29 =	rddreg [dreg:$0x3];
	s30 =	simm.s32 $0x0  }
.LBB2_2:
0xe: {  	s0 =	sshll.u32 s30, $0x3  }
0xf: {  	s0 =	sadd.s32 s8, s0  }
0x10: {  	s31 =	sshll.u32 s0, $0x4  }
0x11: {  	s9 =	simm.s32 $0x0;
	s15 =	sadd.s32 $0x0, s29;
	s3 =	sadd.s32 s2, s31  }
0x12: {  	v9 =	vor.u32 s15, v0;
	[tilespmem:s9], [sflag:$0x2] =	stream.linear.gather [hbm4b:s3+s9], $0x400, $0x38;
	[tilespmem:$0x9400] =	vst v63  }
0x13: {  	v10 =	vmulhi.u32 $0x4EC4EC4F, v9;
	_ =	swait.ge [sflag:s11], $0x400  }
0x14: {  	[sflag:s11] =	ssyncset.done $0x0  }
0x15: {  	s13 =	simm.s32 $0x40;
	v10 =	vshrl.u32 v10, $0x3;
	[sflag:s11] =	ssyncadd.s32 $0xFFFFFC00  }
0x16: {  	v10 =	vmul.u32 $0x1A, v10;
	v11 =	vld [tilespmem:s13+$0xFFFFFFC0];
	_ =	sdelay $0x1  }
0x17: {  	v9 =	vsub.s32 v9, v10  }
0x18: {  	v9 =	vmul.u32 $0x186A0, v9  }
0x19: {  	s19 =	sadd.s32 $0x10, s15  }
0x1a: {  	s10 =	simm.s32 $0x440;
	v10 =	vor.u32 s19, v0;
	v9 =	vadd.s32 v9, v11  }
0x1b: {  	s3 =	simm.s32 $0x840;
	v12 =	vmulhi.u32 $0x4EC4EC4F, v10;
	[tilespmem:s10+$0xFFFFFFC0] =	vst v9;
	v9 =	vshrl.u32 v9, $0x4  }
0x1c: {  	s9 =	simm.s32 $0xC40;
	[tilespmem:s3+$0xFFFFFFC0] =	vst v9;
	v9 =	vand.u32 $0xF, v11  }
0x1d: {  	v11 =	vshrl.u32 v12, $0x3;
	[tilespmem:s9+$0xFFFFFFC0] =	vst v9  }
0x1e: {  	v9 =	vmul.u32 $0x1A, v11;
	v11 =	vld [tilespmem:s13+$0xFFFFFFD0];
	_ =	sdelay $0x1  }
0x1f: {  	v9 =	vsub.s32 v10, v9  }
0x20: {  	v9 =	vmul.u32 $0x186A0, v9  }
0x21: {  	s18 =	sadd.s32 $0x20, s15  }
0x22: {  	v10 =	vor.u32 s18, v0;
	v9 =	vadd.s32 v9, v11  }
0x23: {  	v12 =	vmulhi.u32 $0x4EC4EC4F, v10;
	[tilespmem:s10+$0xFFFFFFD0] =	vst v9;
	v9 =	vshrl.u32 v9, $0x4  }
0x24: {  	[tilespmem:s3+$0xFFFFFFD0] =	vst v9;
	v9 =	vand.u32 $0xF, v11  }
0x25: {  	[tilespmem:s9+$0xFFFFFFD0] =	vst v9;
	v9 =	vshrl.u32 v12, $0x3  }
0x26: {  	v9 =	vmul.u32 $0x1A, v9;
	v11 =	vld [tilespmem:s13+$0xFFFFFFE0];
	_ =	sdelay $0x1  }
0x27: {  	v9 =	vsub.s32 v10, v9  }
0x28: {  	v9 =	vmul.u32 $0x186A0, v9  }
0x29: {  	s20 =	sadd.s32 $0x30, s15  }
0x2a: {  	v10 =	vor.u32 s20, v0;
	v9 =	vadd.s32 v9, v11  }
0x2b: {  	v12 =	vmulhi.u32 $0x4EC4EC4F, v10;
	[tilespmem:s10+$0xFFFFFFE0] =	vst v9;
	v9 =	vshrl.u32 v9, $0x4  }
0x2c: {  	[tilespmem:s3+$0xFFFFFFE0] =	vst v9;
	v9 =	vand.u32 $0xF, v11  }
0x2d: {  	v11 =	vshrl.u32 v12, $0x3;
	[tilespmem:s9+$0xFFFFFFE0] =	vst v9  }
0x2e: {  	v9 =	vmul.u32 $0x1A, v11;
	v11 =	vld [tilespmem:s13+$0xFFFFFFF0];
	_ =	sdelay $0x1  }
0x2f: {  	v9 =	vsub.s32 v10, v9  }
0x30: {  	v9 =	vmul.u32 $0x186A0, v9  }
0x31: {  	s21 =	sadd.s32 $0x40, s15  }
0x32: {  	v10 =	vor.u32 s21, v0;
	v9 =	vadd.s32 v9, v11  }
0x33: {  	v12 =	vmulhi.u32 $0x4EC4EC4F, v10;
	[tilespmem:s10+$0xFFFFFFF0] =	vst v9;
	v9 =	vshrl.u32 v9, $0x4  }
0x34: {  	[tilespmem:s3+$0xFFFFFFF0] =	vst v9;
	v9 =	vand.u32 $0xF, v11  }
0x35: {  	v11 =	vshrl.u32 v12, $0x3;
	[tilespmem:s9+$0xFFFFFFF0] =	vst v9  }
0x36: {  	v9 =	vmul.u32 $0x1A, v11;
	v11 =	vld [tilespmem:s13+$0x0];
	_ =	sdelay $0x1  }
0x37: {  	v9 =	vsub.s32 v10, v9  }
0x38: {  	v9 =	vmul.u32 $0x186A0, v9  }
0x39: {  	s22 =	sadd.s32 $0x50, s15  }
0x3a: {  	v10 =	vor.u32 s22, v0;
	v9 =	vadd.s32 v9, v11  }
0x3b: {  	v12 =	vmulhi.u32 $0x4EC4EC4F, v10;
	[tilespmem:s10+$0x0] =	vst v9;
	v9 =	vshrl.u32 v9, $0x4  }
0x3c: {  	[tilespmem:s3+$0x0] =	vst v9;
	v9 =	vand.u32 $0xF, v11  }
0x3d: {  	v11 =	vshrl.u32 v12, $0x3;
	[tilespmem:s9+$0x0] =	vst v9  }
0x3e: {  	v9 =	vmul.u32 $0x1A, v11;
	v11 =	vld [tilespmem:s13+$0x10];
	_ =	sdelay $0x1  }
0x3f: {  	v9 =	vsub.s32 v10, v9  }
0x40: {  	v9 =	vmul.u32 $0x186A0, v9  }
0x41: {  	s23 =	sadd.s32 $0x60, s15  }
0x42: {  	v10 =	vor.u32 s23, v0;
	v9 =	vadd.s32 v9, v11  }
0x43: {  	v12 =	vmulhi.u32 $0x4EC4EC4F, v10;
	[tilespmem:s10+$0x10] =	vst v9;
	v9 =	vshrl.u32 v9, $0x4  }
0x44: {  	[tilespmem:s3+$0x10] =	vst v9;
	v9 =	vand.u32 $0xF, v11  }
0x45: {  	v11 =	vshrl.u32 v12, $0x3;
	[tilespmem:s9+$0x10] =	vst v9  }
0x46: {  	v9 =	vmul.u32 $0x1A, v11;
	v11 =	vld [tilespmem:s13+$0x20];
	_ =	sdelay $0x1  }
0x47: {  	v9 =	vsub.s32 v10, v9  }
0x48: {  	v9 =	vmul.u32 $0x186A0, v9  }
0x49: {  	s15 =	sadd.s32 $0x70, s15  }
0x4a: {  	v10 =	vor.u32 s15, v0;
	v9 =	vadd.s32 v9, v11  }
0x4b: {  	v12 =	vmulhi.u32 $0x4EC4EC4F, v10;
	[tilespmem:s10+$0x20] =	vst v9;
	v9 =	vshrl.u32 v9, $0x4  }
0x4c: {  	[tilespmem:s3+$0x20] =	vst v9;
	v9 =	vand.u32 $0xF, v11  }
0x4d: {  	[tilespmem:s9+$0x20] =	vst v9;
	v9 =	vshrl.u32 v12, $0x3  }
0x4e: {  	v9 =	vmul.u32 $0x1A, v9;
	v14 =	vld [tilespmem:s13+$0x30];
	_ =	sdelay $0x1  }
0x4f: {  	v9 =	vsub.s32 v10, v9  }
0x50: {  	v9 =	vmul.u32 $0x186A0, v9  }
0x51: {  	s18 =	simm.s32 $0x100;
	s13 =	sadd.s32 $0x80, s29  }
0x52: {  	v11 =	vor.u32 s13, v0;
	s24 =	sadd.s32 $0x10, s13;
	s23 =	sadd.s32 $0x20, s13;
	s22 =	sadd.s32 $0x30, s13;
	v9 =	vadd.s32 v9, v14  }
0x53: {  	s19 =	sadd.s32 $0x40, s13;
	s21 =	sadd.s32 $0x50, s13;
	s15 =	sadd.s32 $0x70, s13;
	v13 =	vmulhi.u32 $0x4EC4EC4F, v11;
	v10 =	vor.u32 s24, v0;
	[tilespmem:s10+$0x30] =	vst v9;
	v15 =	vshrl.u32 v9, $0x4  }
0x54: {  	s20 =	sadd.s32 $0x60, s13;
	s13 =	simm.s32 $0xC0;
	v12 =	vmulhi.u32 $0x4EC4EC4F, v10;
	v14 =	vand.u32 $0xF, v14;
	v9 =	vor.u32 s23, v0;
	s10 =	simm.s32 $0x4C0;
	[tilespmem:s3+$0x30] =	vst v15  }
.LBB2_3:
0x55: {  	[tilespmem:s9+$0x30] =	vst v14;
	s9 =	sadd.s32 $0x80, s9  }
0x56: {  	v13 =	vshrl.u32 v13, $0x3;
	v15 =	vor.u32 s22, v0;
	v16 =	vor.u32 s19, v0;
	s3 =	sadd.s32 $0x80, s3;
	s19 =	smov.u32 s18;
	s23 =	sadd.s32 $0x80, s18  }
0x57: {  	p0 =	sne.s32 s18, $0x380;
	v13 =	vmul.u32 $0x1A, v13;
	v14 =	vld [tilespmem:s13+$0xFFFFFFC0];
	v12 =	vshrl.u32 v12, $0x3;
	v17 =	vmulhi.u32 $0x4EC4EC4F, v15  }
0x58: {  	v19 =	vor.u32 s21, v0;
	v18 =	vmulhi.u32 $0x4EC4EC4F, v16;
	v12 =	vmul.u32 $0x1A, v12  }
0x59: {  	v11 =	vsub.s32 v11, v13;
	v13 =	vshrl.u32 v17, $0x3;
	v17 =	vmulhi.u32 $0x4EC4EC4F, v19  }
0x5a: {  	v11 =	vmul.u32 $0x186A0, v11;
	v10 =	vsub.s32 v10, v12;
	v12 =	vmul.u32 $0x1A, v13  }
0x5b: {  	v13 =	vshrl.u32 v18, $0x3;
	v18 =	vor.u32 s20, v0;
	v17 =	vshrl.u32 v17, $0x3  }
0x5c: {  	v13 =	vmul.u32 $0x1A, v13;
	v11 =	vadd.s32 v11, v14;
	v12 =	vsub.s32 v15, v12  }
0x5d: {  	v15 =	vmul.u32 $0x1A, v17;
	v17 =	vmulhi.u32 $0x4EC4EC4F, v18;
	[tilespmem:s10+$0xFFFFFFC0] =	vst v11;
	v11 =	vshrl.u32 v11, $0x4  }
0x5e: {  	v13 =	vsub.s32 v16, v13;
	[tilespmem:s3+$0xFFFFFFC0] =	vst v11;
	v11 =	vand.u32 $0xF, v14  }
0x5f: {  	v14 =	vshrl.u32 v17, $0x3;
	[tilespmem:s9+$0xFFFFFFC0] =	vst v11;
	v11 =	vsub.s32 v19, v15  }
0x60: {  	v14 =	vmul.u32 $0x1A, v14;
	v15 =	vld [tilespmem:s13+$0xFFFFFFD0];
	_ =	sdelay $0x1  }
0x61: {  	v14 =	vsub.s32 v18, v14  }
0x62: {  	v10 =	vmul.u32 $0x186A0, v10;
	_ =	sdelay $0x1  }
0x63: {  	v10 =	vadd.s32 v10, v15  }
0x64: {  	v16 =	vmulhi.u32 $0x4EC4EC4F, v9;
	[tilespmem:s10+$0xFFFFFFD0] =	vst v10;
	v10 =	vshrl.u32 v10, $0x4  }
0x65: {  	[tilespmem:s3+$0xFFFFFFD0] =	vst v10;
	v10 =	vand.u32 $0xF, v15  }
0x66: {  	[tilespmem:s9+$0xFFFFFFD0] =	vst v10;
	v10 =	vshrl.u32 v16, $0x3  }
0x67: {  	v10 =	vmul.u32 $0x1A, v10;
	v15 =	vld [tilespmem:s13+$0xFFFFFFE0];
	_ =	sdelay $0x1  }
0x68: {  	v9 =	vsub.s32 v9, v10  }
0x69: {  	v9 =	vmul.u32 $0x186A0, v9;
	_ =	sdelay $0x1  }
0x6a: {  	v9 =	vadd.s32 v9, v15  }
0x6b: {  	[tilespmem:s10+$0xFFFFFFE0] =	vst v9;
	v9 =	vshrl.u32 v9, $0x4  }
0x6c: {  	[tilespmem:s3+$0xFFFFFFE0] =	vst v9;
	v9 =	vand.u32 $0xF, v15  }
0x6d: {  	[tilespmem:s9+$0xFFFFFFE0] =	vst v9  }
0x6e: {  	v9 =	vld [tilespmem:s13+$0xFFFFFFF0];
	_ =	sdelay $0x2  }
0x6f: {  	v10 =	vmul.u32 $0x186A0, v12;
	_ =	sdelay $0x1  }
0x70: {  	v10 =	vadd.s32 v10, v9  }
0x71: {  	[tilespmem:s10+$0xFFFFFFF0] =	vst v10;
	v10 =	vshrl.u32 v10, $0x4  }
0x72: {  	v9 =	vand.u32 $0xF, v9;
	[tilespmem:s3+$0xFFFFFFF0] =	vst v10  }
0x73: {  	[tilespmem:s9+$0xFFFFFFF0] =	vst v9  }
0x74: {  	v9 =	vld [tilespmem:s13+$0x0];
	_ =	sdelay $0x2  }
0x75: {  	v10 =	vmul.u32 $0x186A0, v13;
	_ =	sdelay $0x1  }
0x76: {  	v10 =	vadd.s32 v10, v9  }
0x77: {  	[tilespmem:s10+$0x0] =	vst v10;
	v10 =	vshrl.u32 v10, $0x4  }
0x78: {  	v9 =	vand.u32 $0xF, v9;
	[tilespmem:s3+$0x0] =	vst v10  }
0x79: {  	[tilespmem:s9+$0x0] =	vst v9  }
0x7a: {  	v9 =	vld [tilespmem:s13+$0x10];
	_ =	sdelay $0x2  }
0x7b: {  	v10 =	vmul.u32 $0x186A0, v11;
	_ =	sdelay $0x1  }
0x7c: {  	v10 =	vadd.s32 v10, v9  }
0x7d: {  	[tilespmem:s10+$0x10] =	vst v10;
	v10 =	vshrl.u32 v10, $0x4  }
0x7e: {  	v9 =	vand.u32 $0xF, v9;
	[tilespmem:s3+$0x10] =	vst v10  }
0x7f: {  	[tilespmem:s9+$0x10] =	vst v9  }
0x80: {  	v9 =	vld [tilespmem:s13+$0x20];
	_ =	sdelay $0x2  }
0x81: {  	v10 =	vmul.u32 $0x186A0, v14;
	_ =	sdelay $0x1  }
0x82: {  	v11 =	vor.u32 s15, v0;
	v10 =	vadd.s32 v10, v9  }
0x83: {  	v12 =	vmulhi.u32 $0x4EC4EC4F, v11;
	[tilespmem:s10+$0x20] =	vst v10;
	v10 =	vshrl.u32 v10, $0x4  }
0x84: {  	v9 =	vand.u32 $0xF, v9;
	[tilespmem:s3+$0x20] =	vst v10  }
0x85: {  	[tilespmem:s9+$0x20] =	vst v9;
	v9 =	vshrl.u32 v12, $0x3  }
0x86: {  	v9 =	vmul.u32 $0x1A, v9;
	v14 =	vld [tilespmem:s13+$0x30];
	_ =	sdelay $0x1  }
0x87: {  	v9 =	vsub.s32 v11, v9  }
.Ltmp0:
0x88: {  	s15 =	sadd.s32 s19, s29;
	v9 =	vmul.u32 $0x186A0, v9;
	(pc) =	sbr.rel @p0 .LBB2_3-.Ltmp0, $4  }
0x89: {  	s18 =	sadd.s32 $0x10, s15  }
0x8a: {  	s24 =	sadd.s32 $0x20, s15;
	s22 =	sadd.s32 $0x30, s15;
	s19 =	sadd.s32 $0x40, s15;
	v11 =	vor.u32 s15, v0;
	v9 =	vadd.s32 v9, v14  }
0x8b: {  	s21 =	sadd.s32 $0x50, s15;
	s20 =	sadd.s32 $0x60, s15;
	v10 =	vor.u32 s18, v0;
	s18 =	smov.u32 s23;
	v13 =	vmulhi.u32 $0x4EC4EC4F, v11;
	[tilespmem:s10+$0x30] =	vst v9;
	v15 =	vshrl.u32 v9, $0x4  }
0x8c: {  	v12 =	vmulhi.u32 $0x4EC4EC4F, v10;
	s13 =	sadd.s32 $0x80, s13;
	s15 =	sadd.s32 $0x70, s15;
	v14 =	vand.u32 $0xF, v14;
	v9 =	vor.u32 s24, v0;
	s10 =	sadd.s32 $0x80, s10;
	[tilespmem:s3+$0x30] =	vst v15  }
0x8d: {  	v13 =	vshrl.u32 v13, $0x3;
	[tilespmem:s9+$0x30] =	vst v14  }
0x8e: {  	v13 =	vmul.u32 $0x1A, v13;
	v14 =	vld [tilespmem:s13+$0xFFFFFFC0];
	_ =	sdelay $0x1  }
0x8f: {  	v11 =	vsub.s32 v11, v13  }
0x90: {  	v11 =	vmul.u32 $0x186A0, v11;
	_ =	sdelay $0x1  }
0x91: {  	v11 =	vadd.s32 v11, v14  }
0x92: {  	s3 =	sadd.s32 $0x80, s3;
	[tilespmem:s10+$0xFFFFFFC0] =	vst v11;
	v11 =	vshrl.u32 v11, $0x4  }
0x93: {  	s24 =	sadd.s32 $0x80, s9;
	[tilespmem:s3+$0xFFFFFFC0] =	vst v11;
	v11 =	vand.u32 $0xF, v14  }
0x94: {  	v12 =	vshrl.u32 v12, $0x3;
	[tilespmem:s24+$0xFFFFFFC0] =	vst v11  }
0x95: {  	v11 =	vmul.u32 $0x1A, v12;
	v58 =	vld [tilespmem:s13+$0xFFFFFFD0];
	_ =	sdelay $0x1  }
0x96: {  	v10 =	vsub.s32 v10, v11  }
0x97: {  	v10 =	vmul.u32 $0x186A0, v10;
	_ =	sdelay $0x1  }
0x98: {  	v10 =	vadd.s32 v10, v58  }
0x99: {  	v11 =	vmulhi.u32 $0x4EC4EC4F, v9;
	[tilespmem:s10+$0xFFFFFFD0] =	vst v10;
	v10 =	vshrl.u32 v10, $0x4  }
0x9a: {  	[tilespmem:s3+$0xFFFFFFD0] =	vst v10;
	v10 =	vand.u32 $0xF, v58  }
0x9b: {  	[tilespmem:s24+$0xFFFFFFD0] =	vst v10;
	v10 =	vshrl.u32 v11, $0x3  }
0x9c: {  	v10 =	vmul.u32 $0x1A, v10;
	v11 =	vld [tilespmem:s13+$0xFFFFFFE0];
	_ =	sdelay $0x1  }
0x9d: {  	v9 =	vsub.s32 v9, v10  }
0x9e: {  	v9 =	vmul.u32 $0x186A0, v9;
	_ =	sdelay $0x1  }
0x9f: {  	v10 =	vor.u32 s22, v0;
	v9 =	vadd.s32 v9, v11  }
0xa0: {  	v59 =	vmulhi.u32 $0x4EC4EC4F, v10;
	[tilespmem:s10+$0xFFFFFFE0] =	vst v9;
	v9 =	vshrl.u32 v9, $0x4  }
0xa1: {  	[tilespmem:s3+$0xFFFFFFE0] =	vst v9;
	v9 =	vand.u32 $0xF, v11  }
0xa2: {  	v11 =	vshrl.u32 v59, $0x3;
	[tilespmem:s24+$0xFFFFFFE0] =	vst v9  }
0xa3: {  	v9 =	vmul.u32 $0x1A, v11;
	v11 =	vld [tilespmem:s13+$0xFFFFFFF0];
	_ =	sdelay $0x1  }
0xa4: {  	v9 =	vsub.s32 v10, v9  }
0xa5: {  	v9 =	vmul.u32 $0x186A0, v9;
	_ =	sdelay $0x1  }
0xa6: {  	v10 =	vor.u32 s19, v0;
	v9 =	vadd.s32 v9, v11  }
0xa7: {  	v60 =	vmulhi.u32 $0x4EC4EC4F, v10;
	[tilespmem:s10+$0xFFFFFFF0] =	vst v9;
	v9 =	vshrl.u32 v9, $0x4  }
0xa8: {  	[tilespmem:s3+$0xFFFFFFF0] =	vst v9;
	v9 =	vand.u32 $0xF, v11  }
0xa9: {  	v11 =	vshrl.u32 v60, $0x3;
	[tilespmem:s24+$0xFFFFFFF0] =	vst v9  }
0xaa: {  	v9 =	vmul.u32 $0x1A, v11;
	v11 =	vld [tilespmem:s13+$0x0];
	_ =	sdelay $0x1  }
0xab: {  	v9 =	vsub.s32 v10, v9  }
0xac: {  	v9 =	vmul.u32 $0x186A0, v9;
	_ =	sdelay $0x1  }
0xad: {  	v10 =	vor.u32 s21, v0;
	v9 =	vadd.s32 v9, v11  }
0xae: {  	v61 =	vmulhi.u32 $0x4EC4EC4F, v10;
	[tilespmem:s10+$0x0] =	vst v9;
	v9 =	vshrl.u32 v9, $0x4  }
0xaf: {  	[tilespmem:s3+$0x0] =	vst v9;
	v9 =	vand.u32 $0xF, v11  }
0xb0: {  	v11 =	vshrl.u32 v61, $0x3;
	[tilespmem:s24+$0x0] =	vst v9  }
0xb1: {  	v9 =	vmul.u32 $0x1A, v11;
	v11 =	vld [tilespmem:s13+$0x10];
	_ =	sdelay $0x1  }
0xb2: {  	v9 =	vsub.s32 v10, v9  }
0xb3: {  	v9 =	vmul.u32 $0x186A0, v9;
	_ =	sdelay $0x1  }
0xb4: {  	v10 =	vor.u32 s20, v0;
	v9 =	vadd.s32 v9, v11  }
0xb5: {  	v62 =	vmulhi.u32 $0x4EC4EC4F, v10;
	[tilespmem:s10+$0x10] =	vst v9;
	v9 =	vshrl.u32 v9, $0x4  }
0xb6: {  	[tilespmem:s3+$0x10] =	vst v9;
	v9 =	vand.u32 $0xF, v11  }
0xb7: {  	v11 =	vshrl.u32 v62, $0x3;
	[tilespmem:s24+$0x10] =	vst v9  }
0xb8: {  	v9 =	vmul.u32 $0x1A, v11;
	v11 =	vld [tilespmem:s13+$0x20];
	_ =	sdelay $0x1  }
0xb9: {  	v9 =	vsub.s32 v10, v9  }
0xba: {  	v9 =	vmul.u32 $0x186A0, v9;
	_ =	sdelay $0x1  }
0xbb: {  	v10 =	vor.u32 s15, v0;
	v9 =	vadd.s32 v9, v11  }
0xbc: {  	v63 =	vmulhi.u32 $0x4EC4EC4F, v10;
	[tilespmem:s10+$0x20] =	vst v9;
	v9 =	vshrl.u32 v9, $0x4  }
0xbd: {  	[tilespmem:s3+$0x20] =	vst v9;
	v9 =	vand.u32 $0xF, v11  }
0xbe: {  	[tilespmem:s24+$0x20] =	vst v9;
	v9 =	vshrl.u32 v63, $0x3  }
0xbf: {  	v11 =	vld [tilespmem:s13+$0x30];
	v9 =	vmul.u32 $0x1A, v9;
	_ =	sdelay $0x1  }
0xc0: {  	v9 =	vsub.s32 v10, v9  }
0xc1: {  	v9 =	vmul.u32 $0x186A0, v9;
	_ =	sdelay $0x1  }
0xc2: {  	v9 =	vadd.s32 v9, v11  }
0xc3: {  	[tilespmem:s10+$0x30] =	vst v9;
	v9 =	vshrl.u32 v9, $0x4  }
0xc4: {  	[tilespmem:s3+$0x30] =	vst v9;
	v9 =	vand.u32 $0xF, v11  }
0xc5: {  	s15 =	simm.s32 $0x400;
	[tilespmem:s24+$0x30] =	vst v9  }
0xc6: {  	[tilespmem:s14], [sflag:$0x1] =	stream.indirect.gather [hbm4b:s4+s12], $0x10, s15, s12, $0xb8;
	[tilespmem:$0x9400] =	vst v63  }
0xc7: {  	s18 =	simm.s32 $0x800  }
0xc8: {  	[tilespmem:s16], [sflag:$0x1] =	stream.indirect.gather [hbm4b:s5+s12], $0x10, s18, s12, $0xb8;
	[tilespmem:$0x9400] =	vst v63  }
0xc9: {  	_ =	swait.ge [sflag:s17], $0x800  }
0xca: {  	[sflag:s17] =	ssyncset.done $0x0  }
0xcb: {  	[sflag:s17] =	ssyncadd.s32 $0xFFFFF800  }
0xcc: {  	_ =	swait.ge [sflag:s17], $0x800  }
0xcd: {  	[sflag:s17] =	ssyncset.done $0x0  }
0xce: {  	s19 =	simm.s32 $0x480;
	s20 =	simm.s32 $0x1800;
	[sflag:s17] =	ssyncadd.s32 $0xFFFFF800  }
0xcf: {  	[tilespmem:s20], [sflag:$0x1] =	stream.indirect.gather [hbm4b:s4+s12], $0x10, s19, s12, $0xb8;
	[tilespmem:$0x9400] =	vst v63  }
0xd0: {  	s22 =	simm.s32 $0x5800;
	s21 =	simm.s32 $0x880  }
0xd1: {  	[tilespmem:s22], [sflag:$0x1] =	stream.indirect.gather [hbm4b:s5+s12], $0x10, s21, s12, $0xb8;
	[tilespmem:$0x9400] =	vst v63  }
0xd2: {  	_ =	swait.ge [sflag:s17], $0x800  }
0xd3: {  	[sflag:s17] =	ssyncset.done $0x0  }
0xd4: {  	[sflag:s17] =	ssyncadd.s32 $0xFFFFF800  }
0xd5: {  	_ =	swait.ge [sflag:s17], $0x800  }
0xd6: {  	[sflag:s17] =	ssyncset.done $0x0  }
0xd7: {  	s23 =	simm.s32 $0x500;
	s24 =	simm.s32 $0x2000;
	[sflag:s17] =	ssyncadd.s32 $0xFFFFF800  }
0xd8: {  	[tilespmem:s24], [sflag:$0x1] =	stream.indirect.gather [hbm4b:s4+s12], $0x10, s23, s12, $0xb8;
	[tilespmem:$0x9400] =	vst v63  }
0xd9: {  	s13 =	simm.s32 $0x6000;
	s10 =	simm.s32 $0x900  }
0xda: {  	[tilespmem:s13], [sflag:$0x1] =	stream.indirect.gather [hbm4b:s5+s12], $0x10, s10, s12, $0xb8;
	[tilespmem:$0x9400] =	vst v63  }
0xdb: {  	_ =	swait.ge [sflag:s17], $0x800  }
0xdc: {  	[sflag:s17] =	ssyncset.done $0x0  }
0xdd: {  	[sflag:s17] =	ssyncadd.s32 $0xFFFFF800  }
0xde: {  	_ =	swait.ge [sflag:s17], $0x800  }
0xdf: {  	[sflag:s17] =	ssyncset.done $0x0  }
0xe0: {  	s15 =	simm.s32 $0x580;
	s18 =	simm.s32 $0x2800;
	[sflag:s17] =	ssyncadd.s32 $0xFFFFF800  }
0xe1: {  	[tilespmem:s18], [sflag:$0x1] =	stream.indirect.gather [hbm4b:s4+s12], $0x10, s15, s12, $0xb8;
	[tilespmem:$0x9400] =	vst v63  }
0xe2: {  	s19 =	simm.s32 $0x980;
	s20 =	simm.s32 $0x6800  }
0xe3: {  	[tilespmem:s20], [sflag:$0x1] =	stream.indirect.gather [hbm4b:s5+s12], $0x10, s19, s12, $0xb8;
	[tilespmem:$0x9400] =	vst v63  }
0xe4: {  	_ =	swait.ge [sflag:s17], $0x800  }
0xe5: {  	[sflag:s17] =	ssyncset.done $0x0  }
0xe6: {  	[sflag:s17] =	ssyncadd.s32 $0xFFFFF800  }
0xe7: {  	_ =	swait.ge [sflag:s17], $0x800  }
0xe8: {  	[sflag:s17] =	ssyncset.done $0x0  }
0xe9: {  	s21 =	simm.s32 $0x600;
	s22 =	simm.s32 $0x3000;
	[sflag:s17] =	ssyncadd.s32 $0xFFFFF800  }
0xea: {  	[tilespmem:s22], [sflag:$0x1] =	stream.indirect.gather [hbm4b:s4+s12], $0x10, s21, s12, $0xb8;
	[tilespmem:$0x9400] =	vst v63  }
0xeb: {  	s23 =	simm.s32 $0xA00;
	s24 =	simm.s32 $0x7000  }
0xec: {  	[tilespmem:s24], [sflag:$0x1] =	stream.indirect.gather [hbm4b:s5+s12], $0x10, s23, s12, $0xb8;
	[tilespmem:$0x9400] =	vst v63  }
0xed: {  	_ =	swait.ge [sflag:s17], $0x800  }
0xee: {  	[sflag:s17] =	ssyncset.done $0x0  }
0xef: {  	[sflag:s17] =	ssyncadd.s32 $0xFFFFF800  }
0xf0: {  	_ =	swait.ge [sflag:s17], $0x800  }
0xf1: {  	[sflag:s17] =	ssyncset.done $0x0  }
0xf2: {  	s10 =	simm.s32 $0x680;
	s13 =	simm.s32 $0x3800;
	[sflag:s17] =	ssyncadd.s32 $0xFFFFF800  }
0xf3: {  	[tilespmem:s13], [sflag:$0x1] =	stream.indirect.gather [hbm4b:s4+s12], $0x10, s10, s12, $0xb8;
	[tilespmem:$0x9400] =	vst v63  }
0xf4: {  	s15 =	simm.s32 $0xA80;
	s18 =	simm.s32 $0x7800  }
0xf5: {  	[tilespmem:s18], [sflag:$0x1] =	stream.indirect.gather [hbm4b:s5+s12], $0x10, s15, s12, $0xb8;
	[tilespmem:$0x9400] =	vst v63  }
0xf6: {  	_ =	swait.ge [sflag:s17], $0x800  }
0xf7: {  	[sflag:s17] =	ssyncset.done $0x0  }
0xf8: {  	[sflag:s17] =	ssyncadd.s32 $0xFFFFF800  }
0xf9: {  	_ =	swait.ge [sflag:s17], $0x800  }
0xfa: {  	[sflag:s17] =	ssyncset.done $0x0  }
0xfb: {  	s19 =	simm.s32 $0x700;
	s20 =	simm.s32 $0x4000;
	[sflag:s17] =	ssyncadd.s32 $0xFFFFF800  }
0xfc: {  	[tilespmem:s20], [sflag:$0x1] =	stream.indirect.gather [hbm4b:s4+s12], $0x10, s19, s12, $0xb8;
	[tilespmem:$0x9400] =	vst v63  }
0xfd: {  	s21 =	simm.s32 $0xB00;
	s22 =	simm.s32 $0x8000  }
0xfe: {  	[tilespmem:s22], [sflag:$0x1] =	stream.indirect.gather [hbm4b:s5+s12], $0x10, s21, s12, $0xb8;
	[tilespmem:$0x9400] =	vst v63  }
0xff: {  	_ =	swait.ge [sflag:s17], $0x800  }
0x100: {  	[sflag:s17] =	ssyncset.done $0x0  }
0x101: {  	[sflag:s17] =	ssyncadd.s32 $0xFFFFF800  }
0x102: {  	_ =	swait.ge [sflag:s17], $0x800  }
0x103: {  	[sflag:s17] =	ssyncset.done $0x0  }
0x104: {  	s23 =	simm.s32 $0x780;
	s24 =	simm.s32 $0x4800;
	[sflag:s17] =	ssyncadd.s32 $0xFFFFF800  }
0x105: {  	[tilespmem:s24], [sflag:$0x1] =	stream.indirect.gather [hbm4b:s4+s12], $0x10, s23, s12, $0xb8;
	[tilespmem:$0x9400] =	vst v63  }
0x106: {  	_ = 	snop  }
0x107: {  	[tilespmem:s26], [sflag:$0x1] =	stream.indirect.gather [hbm4b:s5+s12], $0x10, s25, s12, $0xb8;
	[tilespmem:$0x9400] =	vst v63  }
0x108: {  	_ =	swait.ge [sflag:s17], $0x800  }
0x109: {  	[sflag:s17] =	ssyncset.done $0x0  }
0x10a: {  	[sflag:s17] =	ssyncadd.s32 $0xFFFFF800  }
0x10b: {  	_ =	swait.ge [sflag:s17], $0x800  }
0x10c: {  	s9 =	simm.s32 $0x9040;
	[sflag:s17] =	ssyncset.done $0x0  }
0x10d: {  	s3 =	simm.s32 $0x0;
	s10 =	simm.s32 $0xC40;
	[sflag:s17] =	ssyncadd.s32 $0xFFFFF800  }
.LBB2_5:
0x10e: {  	v9 =	vld [tilespmem:s10+$0xFFFFFFC0];
	_ =	sdelay $0x4  }
0x10f: {  	s13 =	sshll.u32 s3, $0xB;
	v10 =	vand.u32 $0xFFFFFFF8, v9  }
0x110: {  	v9 =	vand.u32 $0x7, v9;
	v10 =	vadd.s32 s13, v10  }
0x111: {  	v9 =	vor.u32 v9, v10  }
0x112: {  	v9 =	vadd.s32 v1, v9;
	_ =	sdelay $0x4  }
0x113: {  	v9 =	vld.idx.msk [tilespmem:v9+s16+$0x0], $0xffff;
	_ =	sdelay $0x4  }
0x114: {  	[tilespmem:s9+$0xFFFFFFC0] =	vst v9  }
0x115: {  	v9 =	vld [tilespmem:s10+$0xFFFFFFD0];
	_ =	sdelay $0x4  }
0x116: {  	v10 =	vand.u32 $0xFFFFFFF8, v9  }
0x117: {  	v9 =	vand.u32 $0x7, v9;
	v10 =	vadd.s32 s13, v10  }
0x118: {  	v9 =	vor.u32 v9, v10  }
0x119: {  	v9 =	vadd.s32 v2, v9;
	_ =	sdelay $0x4  }
0x11a: {  	v9 =	vld.idx.msk [tilespmem:v9+s16+$0x0], $0xffff;
	_ =	sdelay $0x4  }
0x11b: {  	[tilespmem:s9+$0xFFFFFFD0] =	vst v9  }
0x11c: {  	v9 =	vld [tilespmem:s10+$0xFFFFFFE0];
	_ =	sdelay $0x4  }
0x11d: {  	v10 =	vand.u32 $0xFFFFFFF8, v9  }
0x11e: {  	v9 =	vand.u32 $0x7, v9;
	v10 =	vadd.s32 s13, v10  }
0x11f: {  	v9 =	vor.u32 v9, v10  }
0x120: {  	v9 =	vadd.s32 v3, v9;
	_ =	sdelay $0x4  }
0x121: {  	v9 =	vld.idx.msk [tilespmem:v9+s16+$0x0], $0xffff;
	_ =	sdelay $0x4  }
0x122: {  	[tilespmem:s9+$0xFFFFFFE0] =	vst v9  }
0x123: {  	v9 =	vld [tilespmem:s10+$0xFFFFFFF0];
	_ =	sdelay $0x4  }
0x124: {  	v10 =	vand.u32 $0xFFFFFFF8, v9  }
0x125: {  	v9 =	vand.u32 $0x7, v9;
	v10 =	vadd.s32 s13, v10  }
0x126: {  	v9 =	vor.u32 v9, v10  }
0x127: {  	v9 =	vadd.s32 v4, v9;
	_ =	sdelay $0x4  }
0x128: {  	v9 =	vld.idx.msk [tilespmem:v9+s16+$0x0], $0xffff;
	_ =	sdelay $0x4  }
0x129: {  	[tilespmem:s9+$0xFFFFFFF0] =	vst v9  }
0x12a: {  	v9 =	vld [tilespmem:s10+$0x0];
	_ =	sdelay $0x4  }
0x12b: {  	v10 =	vand.u32 $0xFFFFFFF8, v9  }
0x12c: {  	v9 =	vand.u32 $0x7, v9;
	v10 =	vadd.s32 s13, v10  }
0x12d: {  	v9 =	vor.u32 v9, v10  }
0x12e: {  	v9 =	vadd.s32 v5, v9;
	_ =	sdelay $0x4  }
0x12f: {  	v9 =	vld.idx.msk [tilespmem:v9+s16+$0x0], $0xffff;
	_ =	sdelay $0x4  }
0x130: {  	[tilespmem:s9+$0x0] =	vst v9  }
0x131: {  	v9 =	vld [tilespmem:s10+$0x10];
	_ =	sdelay $0x4  }
0x132: {  	v10 =	vand.u32 $0xFFFFFFF8, v9  }
0x133: {  	v9 =	vand.u32 $0x7, v9;
	v10 =	vadd.s32 s13, v10  }
0x134: {  	v9 =	vor.u32 v9, v10  }
0x135: {  	v9 =	vadd.s32 v6, v9;
	_ =	sdelay $0x4  }
0x136: {  	v9 =	vld.idx.msk [tilespmem:v9+s16+$0x0], $0xffff;
	_ =	sdelay $0x4  }
0x137: {  	[tilespmem:s9+$0x10] =	vst v9  }
0x138: {  	v9 =	vld [tilespmem:s10+$0x20];
	_ =	sdelay $0x4  }
0x139: {  	v10 =	vand.u32 $0xFFFFFFF8, v9  }
0x13a: {  	v9 =	vand.u32 $0x7, v9;
	v10 =	vadd.s32 s13, v10  }
0x13b: {  	v9 =	vor.u32 v9, v10  }
0x13c: {  	v9 =	vadd.s32 v7, v9;
	_ =	sdelay $0x4  }
0x13d: {  	v9 =	vld.idx.msk [tilespmem:v9+s16+$0x0], $0xffff;
	_ =	sdelay $0x4  }
0x13e: {  	[tilespmem:s9+$0x20] =	vst v9  }
0x13f: {  	v9 =	vld [tilespmem:s10+$0x30];
	_ =	sdelay $0x4  }
0x140: {  	v10 =	vand.u32 $0xFFFFFFF8, v9  }
0x141: {  	v9 =	vand.u32 $0x7, v9;
	v10 =	vadd.s32 s13, v10  }
0x142: {  	v9 =	vor.u32 v9, v10  }
0x143: {  	v9 =	vadd.s32 v8, v9;
	_ =	sdelay $0x4  }
0x144: {  	p0 =	sne.s32 s3, $0x7;
	v9 =	vld.idx.msk [tilespmem:v9+s16+$0x0], $0xffff  }
.Ltmp1:
0x145: {  	_ = 	snop;
	(pc) =	sbr.rel @p0 .LBB2_5-.Ltmp1, $2  }
0x146: {  	_ =	sdelay $0x2  }
0x147: {  	s3 =	sadd.s32 $0x1, s3;
	s10 =	sadd.s32 $0x80, s10;
	[tilespmem:s9+$0x30] =	vst v9;
	s9 =	sadd.s32 $0x80, s9  }
0x148: {  	s0 =	sshll.u32 s0, $0x8  }
0x149: {  	s0 =	sadd.s32 s6, s0  }
0x14a: {  	[hbm4b:s0+s1] =	stream.linear.scatter [tilespmem:s14], [sflag:$0x2], $0x4000, $0x38;
	[tilespmem:$0x9400] =	vst v63  }
0x14b: {  	s30 =	sadd.s32 $0x1, s30;
	_ =	swait.ge [sflag:s11], $0x4000  }
0x14c: {  	p0 =	sne.s32 s30, $0xD;
	[sflag:s11] =	ssyncset.done $0x0  }
.Ltmp2:
0x14d: {  	s31 =	sadd.s32 s7, s31;
	[sflag:s11] =	ssyncadd.s32 $0xFFFFC000;
	(pc) =	sbr.rel @p0 .LBB2_2-.Ltmp2, $4  }
0x14e: {  	[hbm4b:s31+s1] =	stream.linear.scatter [tilespmem:s28], [sflag:$0x2], $0x400, $0x38;
	[tilespmem:$0x9400] =	vst v63  }
0x14f: {  	_ =	swait.ge [sflag:s11], $0x400  }
0x150: {  	[sflag:s11] =	ssyncset.done $0x0  }
0x151: {  	s29 =	sadd.s32 $0x400, s29;
	[sflag:s11] =	ssyncadd.s32 $0xFFFFFC00  }
0x152: {  	s3 =	rddreg [dreg:$0x4]  }
0x153: {  	s0 =	rddreg [dreg:$0x2];
	s3 =	sadd.s32 $0x1, s3  }
0x154: {  	p0 =	sne.s32 s3, s0  }
.Ltmp3:
0x155: {  	_ = 	snop;
	(pc) =	sbr.rel @p0 .LBB2_1-.Ltmp3, $1  }
0x156: {  	_ =	sdelay $0x3  }
0x157: {  	_ =	sfence.sel $0x180000  }
0x158: {  	[bflag:$0x0] =	sbarrier.arrive $0xFFFF  }
0x159: {  	_ =	strace $0x90000047  }
0x15a: {  	s0 =	stileid.u32;
	[bflag:$0x2] =	sbarrier.arrive $0xFFFF  }
0x15b: {  	p0 =	sne.s32 s0, $0x0;
	s0 =	rddreg [dreg:$0x1]  }
0x15c: {  	s0 =	sadd.s32 @!p0 $0x100000, s0  }
0x15d: {  	[sflag:s0] =	ssyncadd.tile.s32 @!p0 $0x1;
	_ =	shalt  }
.Lfunc_end2:
_tile_overlayer_lowered:
.L_overlay_start_2:
0x15e: {  	(tag) =	ssettag $0x2  }
0x15f: {  	s0 =	rddreg [dreg:$0x0];
	s2 =	stileid.u32  }
0x160: {  	s1 =	rddreg [dreg:$0x1];
	p0 =	sne.s32 s2, $0x0  }
0x161: {  	s3 =	rddreg [dreg:$0x2];
	[bflag:$0x3] =	sbarrier.arrive $0xFFFF;
	s2 =	simm.s32 @!p0 $0x1C02  }
0x162: {  	[timem:s3], [sflag:s2] =	dma.local @!p0 [hbm:s0], s1  }
0x163: {  	s0 =	simm.s32 @!p0 $0x2  }
0x164: {  	_ =	swait.ge @!p0 [sflag:s0], s1  }
0x165: {  	s1 =	ssub.s32 @!p0 $0x0, s1;
	[sflag:s0] =	ssyncset.done @!p0 $0x0  }
0x166: {  	[sflag:s0] =	ssyncadd.s32 @!p0 s1  }
0x167: {  	[bflag:$0x3] =	sbarrier.arrive $0xFFFF  }
0x168: {  	_ =	shalt  }

</sc_bundles>
